<compile_context>
chip_gen: v7x
topology: tpu7x:2x2x1
jax: 0.10.2.dev20260603
libtpu: 0.0.44.dev20260713+nightly
codegen_flags: <defaults>
</compile_context>

<pallas_src>
import functools

import jax
import jax.numpy as jnp
from jax import lax
from jax.experimental import pallas as pl
from jax.experimental.pallas import tpu as pltpu
from jax.experimental.pallas import tpu_sc as plsc

NC = 2
NS = 16
NW = NC * NS
CHUNK = 128
LANES = 16


def _sc_aggregate(h, pidx, cidx, n_chunks, np_rows, rpt):
    d = h.shape[1]

    mesh = plsc.VectorSubcoreMesh(core_axis_name="c", subcore_axis_name="s")

    @functools.partial(
        pl.kernel,
        out_type=[
            jax.ShapeDtypeStruct((NC, np_rows, d), jnp.float32),
            jax.ShapeDtypeStruct((NC, np_rows), jnp.float32),
        ],
        mesh=mesh,
        scratch_types=[
            pltpu.VMEM_SHARED((np_rows, d), jnp.float32),
            pltpu.VMEM_SHARED((np_rows,), jnp.float32),
            pltpu.VMEM((n_chunks, CHUNK), jnp.int32),
            pltpu.VMEM((n_chunks, CHUNK), jnp.int32),
            pltpu.VMEM((CHUNK, d), jnp.float32),
            pltpu.VMEM((CHUNK,), jnp.float32),
            pltpu.VMEM((rpt,), jnp.float32),
            pltpu.SemaphoreType.DMA,
            pltpu.SemaphoreType.DMA,
        ],
    )
    def sc_kernel(h_hbm, pidx_hbm, cidx_hbm, psum_hbm, pcnt_hbm,
                  accum, csum, cidx_all, pidx_all, rows, ones_v, zcnt,
                  sem_g, sem_o):
        c = lax.axis_index("c")
        s = lax.axis_index("s")
        wid = c * NS + s

        idx_cp = [
            pltpu.async_copy(pidx_hbm.at[wid], pidx_all, sem_g),
            pltpu.async_copy(cidx_hbm.at[wid], cidx_all, sem_o),
        ]

        zeros16 = jnp.zeros((LANES,), jnp.float32)
        ones16 = jnp.ones((LANES,), jnp.float32)

        def init_rows(i, carry):
            for k in range(d // LANES):
                rows[i, pl.ds(k * LANES, LANES)] = zeros16
            return carry

        lax.fori_loop(0, CHUNK, init_rows, 0)

        def init_zcnt(i, carry):
            zcnt[pl.ds(i * LANES, LANES)] = zeros16
            return carry

        lax.fori_loop(0, rpt // LANES, init_zcnt, 0)

        for k in range(CHUNK // LANES):
            ones_v[pl.ds(k * LANES, LANES)] = ones16

        row0 = s * rpt
        for zb in range(rpt // CHUNK):
            pltpu.sync_copy(rows, accum.at[pl.ds(row0 + zb * CHUNK, CHUNK)])
        pltpu.sync_copy(zcnt, csum.at[pl.ds(row0, rpt)])
        for cp in idx_cp:
            cp.wait()
        plsc.subcore_barrier()

        def chunk_body(j, carry):
            pltpu.async_copy(h_hbm.at[cidx_all.at[j]], rows, sem_g).wait()
            pltpu.sync_copy(rows, accum.at[pidx_all.at[j]], add=True)
            pltpu.async_copy(ones_v, csum.at[pidx_all.at[j]], sem_o,
                             add=True)
            return carry

        lax.fori_loop(0, n_chunks, chunk_body, 0)
        pltpu.make_async_copy(pidx_hbm.at[wid], pidx_all, sem_o).wait()
        plsc.subcore_barrier()

        pltpu.sync_copy(accum.at[pl.ds(row0, rpt)],
                        psum_hbm.at[c, pl.ds(row0, rpt)])
        pltpu.sync_copy(csum.at[pl.ds(row0, rpt)],
                        pcnt_hbm.at[c, pl.ds(row0, rpt)])

    return sc_kernel(h, pidx, cidx)


def _tc_mlp_kernel(h_ref, psum_ref, pcnt_ref, w1_ref, b1_ref, w2_ref, b2_ref,
                   out_ref):
    total = psum_ref[0] + psum_ref[1]
    cnt = pcnt_ref[0] + pcnt_ref[1]
    denom = jnp.maximum(cnt, 1.0)
    mean = total / denom
    z = jnp.dot(mean, w1_ref[...], preferred_element_type=jnp.float32)
    z = z + b1_ref[...]
    z = jnp.where(z >= 0, z, 0.01 * z)
    delta = jnp.dot(z, w2_ref[...], preferred_element_type=jnp.float32)
    delta = delta + b2_ref[...]
    delta = jnp.where(cnt > 0, delta, 0.0)
    out_ref[...] = h_ref[...] + delta


def _tc_mlp(h, psum, pcnt, w1, b1, w2, b2, block_rows):
    n, d = h.shape
    grid = n // block_rows
    return pl.pallas_call(
        _tc_mlp_kernel,
        grid=(grid,),
        in_specs=[
            pl.BlockSpec((block_rows, d), lambda i: (i, 0)),
            pl.BlockSpec((NC, block_rows, d), lambda i: (0, i, 0)),
            pl.BlockSpec((NC, block_rows, 1), lambda i: (0, i, 0)),
            pl.BlockSpec((d, d), lambda i: (0, 0)),
            pl.BlockSpec((1, d), lambda i: (0, 0)),
            pl.BlockSpec((d, d), lambda i: (0, 0)),
            pl.BlockSpec((1, d), lambda i: (0, 0)),
        ],
        out_specs=pl.BlockSpec((block_rows, d), lambda i: (i, 0)),
        out_shape=jax.ShapeDtypeStruct((n, d), jnp.float32),
    )(h, psum, pcnt, w1, b1, w2, b2)


def kernel(h, edge_index_p_to_c, W1, b1, W2, b2):
    n, d = h.shape
    e = edge_index_p_to_c.shape[1]

    ei = edge_index_p_to_c.astype(jnp.int32)

    n_chunks = -(-e // (NW * CHUNK))
    e_pad = NW * n_chunks * CHUNK
    pad = e_pad - e
    pidx = jnp.concatenate([ei[0], jnp.full((pad,), n, jnp.int32)])
    cidx = jnp.concatenate([ei[1], jnp.zeros((pad,), jnp.int32)])
    pidx = pidx.reshape(NW, n_chunks, CHUNK)
    cidx = cidx.reshape(NW, n_chunks, CHUNK)

    rpt = -(-(n + 1) // NS)
    rpt = -(-rpt // 64) * 64
    np_rows = rpt * NS

    psum, pcnt = _sc_aggregate(h, pidx, cidx, n_chunks, np_rows, rpt)

    block_rows = 2000 if n % 2000 == 0 else n
    return _tc_mlp(h, psum, pcnt.reshape(NC, np_rows, 1), W1,
                   b1.reshape(1, d), W2, b2.reshape(1, d), block_rows)

# --- scband reference (transcript-rebuilt; emitter-appended) ---
"""Pipeline reference for scband-tree-bottom-up-step-57827439674228 (READ-ONLY COPY).

The authoritative reference and input builder live on the scoring server;
editing this copy changes nothing except your own understanding.
"""

import jax, jax.numpy as jnp
import numpy as np

N = 10000
E = 320000
D = 128

def setup_inputs(seed: int = 0) -> dict:
    key = jax.random.key(seed)
    k1, k2, k3, k4, k5, k6 = jax.random.split(key, 6)
    h = jax.random.normal(k1, (N, D), dtype=jnp.float32)
    edge_index_p_to_c = jax.random.randint(k2, (2, E), 0, N, dtype=jnp.int64)
    s1 = 1.0 / np.sqrt(D)
    W1 = jax.random.uniform(k3, (D, D), dtype=jnp.float32, minval=-s1, maxval=s1)
    b1 = jax.random.uniform(k4, (D,), dtype=jnp.float32, minval=-s1, maxval=s1)
    W2 = jax.random.uniform(k5, (D, D), dtype=jnp.float32, minval=-s1, maxval=s1)
    b2 = jax.random.uniform(k6, (D,), dtype=jnp.float32, minval=-s1, maxval=s1)
    return {"h": h, "edge_index_p_to_c": edge_index_p_to_c, "W1": W1, "b1": b1, "W2": W2, "b2": b2}

def _leaky_relu(x, negative_slope=0.01):
    return jnp.where(x >= 0, x, negative_slope * x)

def reference(h, edge_index_p_to_c, W1, b1, W2, b2):
    parent_idx = edge_index_p_to_c[0]
    child_idx = edge_index_p_to_c[1]
    child_h = jnp.take(h, child_idx, axis=0)
    sum_per_parent = jnp.zeros_like(h).at[parent_idx].add(child_h)
    ones = jnp.ones((child_idx.shape[0],), dtype=h.dtype)
    count_per_parent = jnp.zeros((h.shape[0],), dtype=h.dtype).at[parent_idx].add(ones)
    denom = jnp.clip(count_per_parent, 1.0, None)[:, None]
    mean_per_parent = sum_per_parent / denom
    update_mask = (count_per_parent > 0).astype(h.dtype)[:, None]
    z = _leaky_relu(mean_per_parent @ W1 + b1)
    delta = (z @ W2 + b2) * update_mask
    return h + delta

if __name__ == "__main__":
    import jax
    _d = setup_inputs()
    print(jax.jit(kernel)(*tuple(_d.values())))

</pallas_src>

<mosaic_0001>
#map = affine_map<(d0, d1) -> (0, 0)>
#map1 = affine_map<(d0, d1) -> (0, 0, 0)>
module attributes {stable_mosaic.version = 14 : i64} {
  func.func @sc_kernel(%arg0: i32, %arg1: i32, %arg2: memref<10000x128xf32, #tpu.memory_space<hbm>>, %arg3: memref<32x79x128xi32, #tpu.memory_space<hbm>>, %arg4: memref<32x79x128xi32, #tpu.memory_space<hbm>>, %arg5: memref<2x10240x128xf32, #tpu.memory_space<hbm>>, %arg6: memref<2x10240xf32, #tpu.memory_space<hbm>>, %arg7: memref<10240x128xf32, #tpu.memory_space<vmem_shared>>, %arg8: memref<10240xf32, #tpu.memory_space<vmem_shared>>, %arg9: memref<79x128xi32, #tpu.memory_space<vmem>>, %arg10: memref<79x128xi32, #tpu.memory_space<vmem>>, %arg11: memref<128x128xf32, #tpu.memory_space<vmem>>, %arg12: memref<128xf32, #tpu.memory_space<vmem>>, %arg13: memref<640xf32, #tpu.memory_space<vmem>>, %arg14: memref<!tpu.dma_semaphore, #tpu.memory_space<semaphore_mem>>, %arg15: memref<!tpu.dma_semaphore, #tpu.memory_space<semaphore_mem>>) attributes {dimension_semantics = [#tpu.dimension_semantics<core_parallel>, #tpu.dimension_semantics<subcore_parallel>], iteration_bounds = array<i64: 2, 16>, scalar_prefetch = 0 : i64, scratch_operands = 9 : i64, tpu.core_type = #tpu.core_type<sc_vector_subcore>, window_params = [{transform_indices = #map}, {transform_indices = #map1}, {transform_indices = #map1}, {transform_indices = #map1}, {transform_indices = #map}]} {
    %mul3A = arith.constant 16 : i32
    %mul3A_0 = arith.muli %arg0, %mul3A : i32
    %add3A = arith.addi %mul3A_0, %arg1 : i32
    %dma_start3A = arith.constant 0 : i32
    %dma_start3A_1 = arith.constant 0 : i32
    %dma_start3A_2 = tpu.memref_slice %arg3[%add3A, %dma_start3A, %dma_start3A_1] : memref<32x79x128xi32, #tpu.memory_space<hbm>> -> memref<1x79x128xi32, #tpu.memory_space<hbm>>
    %dma_start3A_3 = tpu.memref_squeeze %dma_start3A_2 : memref<1x79x128xi32, #tpu.memory_space<hbm>> -> memref<79x128xi32, #tpu.memory_space<hbm>>
    %dma_start3A_4 = arith.constant 0 : i32
    %dma_start3A_5 = arith.constant 0 : i32
    %dma_start3A_6 = tpu.memref_slice %arg3[%add3A, %dma_start3A_4, %dma_start3A_5] : memref<32x79x128xi32, #tpu.memory_space<hbm>> -> memref<1x79x128xi32, #tpu.memory_space<hbm>>
    %dma_start3A_7 = tpu.memref_squeeze %dma_start3A_6 : memref<1x79x128xi32, #tpu.memory_space<hbm>> -> memref<79x128xi32, #tpu.memory_space<hbm>>
    tpu.enqueue_dma source(%dma_start3A_7 : memref<79x128xi32, #tpu.memory_space<hbm>>) target(%arg10 : memref<79x128xi32, #tpu.memory_space<vmem>>) target_semaphore(%arg14 : memref<!tpu.dma_semaphore, #tpu.memory_space<semaphore_mem>>)
    %dma_start3A_8 = arith.constant 0 : i32
    %dma_start3A_9 = arith.constant 0 : i32
    %dma_start3A_10 = tpu.memref_slice %arg4[%add3A, %dma_start3A_8, %dma_start3A_9] : memref<32x79x128xi32, #tpu.memory_space<hbm>> -> memref<1x79x128xi32, #tpu.memory_space<hbm>>
    %dma_start3A_11 = tpu.memref_squeeze %dma_start3A_10 : memref<1x79x128xi32, #tpu.memory_space<hbm>> -> memref<79x128xi32, #tpu.memory_space<hbm>>
    %dma_start3A_12 = arith.constant 0 : i32
    %dma_start3A_13 = arith.constant 0 : i32
    %dma_start3A_14 = tpu.memref_slice %arg4[%add3A, %dma_start3A_12, %dma_start3A_13] : memref<32x79x128xi32, #tpu.memory_space<hbm>> -> memref<1x79x128xi32, #tpu.memory_space<hbm>>
    %dma_start3A_15 = tpu.memref_squeeze %dma_start3A_14 : memref<1x79x128xi32, #tpu.memory_space<hbm>> -> memref<79x128xi32, #tpu.memory_space<hbm>>
    tpu.enqueue_dma source(%dma_start3A_15 : memref<79x128xi32, #tpu.memory_space<hbm>>) target(%arg9 : memref<79x128xi32, #tpu.memory_space<vmem>>) target_semaphore(%arg15 : memref<!tpu.dma_semaphore, #tpu.memory_space<semaphore_mem>>)
    %broadcast_in_dim3A = arith.constant 0.000000e+00 : f32
    %broadcast_in_dim3A_16 = vector.broadcast %broadcast_in_dim3A : f32 to vector<16xf32>
    %broadcast_in_dim3A_17 = arith.constant 1.000000e+00 : f32
    %broadcast_in_dim3A_18 = vector.broadcast %broadcast_in_dim3A_17 : f32 to vector<16xf32>
    %scan3A = arith.constant 0 : i32
    %scan3A_19 = arith.constant 0 : i32
    %scan3A_20 = arith.constant 128 : i32
    %scan3A_21 = arith.addi %scan3A_19, %scan3A_20 : i32
    %scan3A_22 = arith.constant 1 : i32
    scf.for %scan3A_103 = %scan3A_19 to %scan3A_21 step %scan3A_22  : i32 {
      %swap3A_104 = arith.index_cast %scan3A_103 : i32 to index
      %swap3A_105 = arith.constant 0 : index
      %swap3A_106 = tpu.vector_load %arg11[%swap3A_104, %swap3A_105] {strides = array<i32>} : memref<128x128xf32, #tpu.memory_space<vmem>>, vector<1x16xf32>,
      %swap3A_107 = vector.shape_cast %swap3A_106 : vector<1x16xf32> to vector<16xf32>
      %swap3A_108 = vector.shape_cast %broadcast_in_dim3A_16 : vector<16xf32> to vector<1x16xf32>
      tpu.vector_store %arg11[%swap3A_104, %swap3A_105], %swap3A_108 {strides = array<i32>} : memref<128x128xf32, #tpu.memory_space<vmem>>, vector<1x16xf32>,
      %swap3A_109 = arith.index_cast %scan3A_103 : i32 to index
      %swap3A_110 = arith.constant 16 : index
      %swap3A_111 = tpu.vector_load %arg11[%swap3A_109, %swap3A_110] {strides = array<i32>} : memref<128x128xf32, #tpu.memory_space<vmem>>, vector<1x16xf32>,
      %swap3A_112 = vector.shape_cast %swap3A_111 : vector<1x16xf32> to vector<16xf32>
      %swap3A_113 = vector.shape_cast %broadcast_in_dim3A_16 : vector<16xf32> to vector<1x16xf32>
      tpu.vector_store %arg11[%swap3A_109, %swap3A_110], %swap3A_113 {strides = array<i32>} : memref<128x128xf32, #tpu.memory_space<vmem>>, vector<1x16xf32>,
      %swap3A_114 = arith.index_cast %scan3A_103 : i32 to index
      %swap3A_115 = arith.constant 32 : index
      %swap3A_116 = tpu.vector_load %arg11[%swap3A_114, %swap3A_115] {strides = array<i32>} : memref<128x128xf32, #tpu.memory_space<vmem>>, vector<1x16xf32>,
      %swap3A_117 = vector.shape_cast %swap3A_116 : vector<1x16xf32> to vector<16xf32>
      %swap3A_118 = vector.shape_cast %broadcast_in_dim3A_16 : vector<16xf32> to vector<1x16xf32>
      tpu.vector_store %arg11[%swap3A_114, %swap3A_115], %swap3A_118 {strides = array<i32>} : memref<128x128xf32, #tpu.memory_space<vmem>>, vector<1x16xf32>,
      %swap3A_119 = arith.index_cast %scan3A_103 : i32 to index
      %swap3A_120 = arith.constant 48 : index
      %swap3A_121 = tpu.vector_load %arg11[%swap3A_119, %swap3A_120] {strides = array<i32>} : memref<128x128xf32, #tpu.memory_space<vmem>>, vector<1x16xf32>,
      %swap3A_122 = vector.shape_cast %swap3A_121 : vector<1x16xf32> to vector<16xf32>
      %swap3A_123 = vector.shape_cast %broadcast_in_dim3A_16 : vector<16xf32> to vector<1x16xf32>
      tpu.vector_store %arg11[%swap3A_119, %swap3A_120], %swap3A_123 {strides = array<i32>} : memref<128x128xf32, #tpu.memory_space<vmem>>, vector<1x16xf32>,
      %swap3A_124 = arith.index_cast %scan3A_103 : i32 to index
      %swap3A_125 = arith.constant 64 : index
      %swap3A_126 = tpu.vector_load %arg11[%swap3A_124, %swap3A_125] {strides = array<i32>} : memref<128x128xf32, #tpu.memory_space<vmem>>, vector<1x16xf32>,
      %swap3A_127 = vector.shape_cast %swap3A_126 : vector<1x16xf32> to vector<16xf32>
      %swap3A_128 = vector.shape_cast %broadcast_in_dim3A_16 : vector<16xf32> to vector<1x16xf32>
      tpu.vector_store %arg11[%swap3A_124, %swap3A_125], %swap3A_128 {strides = array<i32>} : memref<128x128xf32, #tpu.memory_space<vmem>>, vector<1x16xf32>,
      %swap3A_129 = arith.index_cast %scan3A_103 : i32 to index
      %swap3A_130 = arith.constant 80 : index
      %swap3A_131 = tpu.vector_load %arg11[%swap3A_129, %swap3A_130] {strides = array<i32>} : memref<128x128xf32, #tpu.memory_space<vmem>>, vector<1x16xf32>,
      %swap3A_132 = vector.shape_cast %swap3A_131 : vector<1x16xf32> to vector<16xf32>
      %swap3A_133 = vector.shape_cast %broadcast_in_dim3A_16 : vector<16xf32> to vector<1x16xf32>
      tpu.vector_store %arg11[%swap3A_129, %swap3A_130], %swap3A_133 {strides = array<i32>} : memref<128x128xf32, #tpu.memory_space<vmem>>, vector<1x16xf32>,
      %swap3A_134 = arith.index_cast %scan3A_103 : i32 to index
      %swap3A_135 = arith.constant 96 : index
      %swap3A_136 = tpu.vector_load %arg11[%swap3A_134, %swap3A_135] {strides = array<i32>} : memref<128x128xf32, #tpu.memory_space<vmem>>, vector<1x16xf32>,
      %swap3A_137 = vector.shape_cast %swap3A_136 : vector<1x16xf32> to vector<16xf32>
      %swap3A_138 = vector.shape_cast %broadcast_in_dim3A_16 : vector<16xf32> to vector<1x16xf32>
      tpu.vector_store %arg11[%swap3A_134, %swap3A_135], %swap3A_138 {strides = array<i32>} : memref<128x128xf32, #tpu.memory_space<vmem>>, vector<1x16xf32>,
      %swap3A_139 = arith.index_cast %scan3A_103 : i32 to index
      %swap3A_140 = arith.constant 112 : index
      %swap3A_141 = tpu.vector_load %arg11[%swap3A_139, %swap3A_140] {strides = array<i32>} : memref<128x128xf32, #tpu.memory_space<vmem>>, vector<1x16xf32>,
      %swap3A_142 = vector.shape_cast %swap3A_141 : vector<1x16xf32> to vector<16xf32>
      %swap3A_143 = vector.shape_cast %broadcast_in_dim3A_16 : vector<16xf32> to vector<1x16xf32>
      tpu.vector_store %arg11[%swap3A_139, %swap3A_140], %swap3A_143 {strides = array<i32>} : memref<128x128xf32, #tpu.memory_space<vmem>>, vector<1x16xf32>,
    }
    %scan3A_23 = arith.constant 128 : i32
    %scan3A_24 = arith.constant 0 : i32
    %scan3A_25 = arith.constant 0 : i32
    %scan3A_26 = arith.constant 40 : i32
    %scan3A_27 = arith.addi %scan3A_25, %scan3A_26 : i32
    %scan3A_28 = arith.constant 1 : i32
    scf.for %scan3A_103 = %scan3A_25 to %scan3A_27 step %scan3A_28  : i32 {
      %mul3A_104 = arith.constant 16 : i32
      %mul3A_105 = arith.muli %scan3A_103, %mul3A_104 : i32
      %swap3A_106 = arith.index_cast %mul3A_105 : i32 to index
      %swap3A_107 = tpu.vector_load %arg13[%swap3A_106] {strides = array<i32>} : memref<640xf32, #tpu.memory_space<vmem>>, vector<16xf32>,
      %swap3A_108 = vector.shape_cast %swap3A_107 : vector<16xf32> to vector<16xf32>
      %swap3A_109 = vector.shape_cast %broadcast_in_dim3A_16 : vector<16xf32> to vector<16xf32>
      tpu.vector_store %arg13[%swap3A_106], %swap3A_109 {strides = array<i32>} : memref<640xf32, #tpu.memory_space<vmem>>, vector<16xf32>,
    }
    %scan3A_29 = arith.constant 40 : i32
    %swap3A = arith.constant 0 : index
    %swap3A_30 = tpu.vector_load %arg12[%swap3A] {strides = array<i32>} : memref<128xf32, #tpu.memory_space<vmem>>, vector<16xf32>,
    %swap3A_31 = vector.shape_cast %swap3A_30 : vector<16xf32> to vector<16xf32>
    %swap3A_32 = vector.shape_cast %broadcast_in_dim3A_18 : vector<16xf32> to vector<16xf32>
    tpu.vector_store %arg12[%swap3A], %swap3A_32 {strides = array<i32>} : memref<128xf32, #tpu.memory_space<vmem>>, vector<16xf32>,
    %swap3A_33 = arith.constant 16 : index
    %swap3A_34 = tpu.vector_load %arg12[%swap3A_33] {strides = array<i32>} : memref<128xf32, #tpu.memory_space<vmem>>, vector<16xf32>,
    %swap3A_35 = vector.shape_cast %swap3A_34 : vector<16xf32> to vector<16xf32>
    %swap3A_36 = vector.shape_cast %broadcast_in_dim3A_18 : vector<16xf32> to vector<16xf32>
    tpu.vector_store %arg12[%swap3A_33], %swap3A_36 {strides = array<i32>} : memref<128xf32, #tpu.memory_space<vmem>>, vector<16xf32>,
    %swap3A_37 = arith.constant 32 : index
    %swap3A_38 = tpu.vector_load %arg12[%swap3A_37] {strides = array<i32>} : memref<128xf32, #tpu.memory_space<vmem>>, vector<16xf32>,
    %swap3A_39 = vector.shape_cast %swap3A_38 : vector<16xf32> to vector<16xf32>
    %swap3A_40 = vector.shape_cast %broadcast_in_dim3A_18 : vector<16xf32> to vector<16xf32>
    tpu.vector_store %arg12[%swap3A_37], %swap3A_40 {strides = array<i32>} : memref<128xf32, #tpu.memory_space<vmem>>, vector<16xf32>,
    %swap3A_41 = arith.constant 48 : index
    %swap3A_42 = tpu.vector_load %arg12[%swap3A_41] {strides = array<i32>} : memref<128xf32, #tpu.memory_space<vmem>>, vector<16xf32>,
    %swap3A_43 = vector.shape_cast %swap3A_42 : vector<16xf32> to vector<16xf32>
    %swap3A_44 = vector.shape_cast %broadcast_in_dim3A_18 : vector<16xf32> to vector<16xf32>
    tpu.vector_store %arg12[%swap3A_41], %swap3A_44 {strides = array<i32>} : memref<128xf32, #tpu.memory_space<vmem>>, vector<16xf32>,
    %swap3A_45 = arith.constant 64 : index
    %swap3A_46 = tpu.vector_load %arg12[%swap3A_45] {strides = array<i32>} : memref<128xf32, #tpu.memory_space<vmem>>, vector<16xf32>,
    %swap3A_47 = vector.shape_cast %swap3A_46 : vector<16xf32> to vector<16xf32>
    %swap3A_48 = vector.shape_cast %broadcast_in_dim3A_18 : vector<16xf32> to vector<16xf32>
    tpu.vector_store %arg12[%swap3A_45], %swap3A_48 {strides = array<i32>} : memref<128xf32, #tpu.memory_space<vmem>>, vector<16xf32>,
    %swap3A_49 = arith.constant 80 : index
    %swap3A_50 = tpu.vector_load %arg12[%swap3A_49] {strides = array<i32>} : memref<128xf32, #tpu.memory_space<vmem>>, vector<16xf32>,
    %swap3A_51 = vector.shape_cast %swap3A_50 : vector<16xf32> to vector<16xf32>
    %swap3A_52 = vector.shape_cast %broadcast_in_dim3A_18 : vector<16xf32> to vector<16xf32>
    tpu.vector_store %arg12[%swap3A_49], %swap3A_52 {strides = array<i32>} : memref<128xf32, #tpu.memory_space<vmem>>, vector<16xf32>,
    %swap3A_53 = arith.constant 96 : index
    %swap3A_54 = tpu.vector_load %arg12[%swap3A_53] {strides = array<i32>} : memref<128xf32, #tpu.memory_space<vmem>>, vector<16xf32>,
    %swap3A_55 = vector.shape_cast %swap3A_54 : vector<16xf32> to vector<16xf32>
    %swap3A_56 = vector.shape_cast %broadcast_in_dim3A_18 : vector<16xf32> to vector<16xf32>
    tpu.vector_store %arg12[%swap3A_53], %swap3A_56 {strides = array<i32>} : memref<128xf32, #tpu.memory_space<vmem>>, vector<16xf32>,
    %swap3A_57 = arith.constant 112 : index
    %swap3A_58 = tpu.vector_load %arg12[%swap3A_57] {strides = array<i32>} : memref<128xf32, #tpu.memory_space<vmem>>, vector<16xf32>,
    %swap3A_59 = vector.shape_cast %swap3A_58 : vector<16xf32> to vector<16xf32>
    %swap3A_60 = vector.shape_cast %broadcast_in_dim3A_18 : vector<16xf32> to vector<16xf32>
    tpu.vector_store %arg12[%swap3A_57], %swap3A_60 {strides = array<i32>} : memref<128xf32, #tpu.memory_space<vmem>>, vector<16xf32>,
    %mul3A_61 = arith.constant 640 : i32
    %mul3A_62 = arith.muli %arg1, %mul3A_61 : i32
    %add3A_63 = arith.constant 0 : i32
    %add3A_64 = arith.addi %mul3A_62, %add3A_63 : i32
    "tpu.region"() ({
      %run_scoped3A = tpu.sem_alloc : memref<!tpu.dma_semaphore, #tpu.memory_space<semaphore_mem>>
      %dma_start3A_103 = arith.constant 0 : i32
      %dma_start3A_104 = tpu.memref_slice %arg7[%add3A_64, %dma_start3A_103] : memref<10240x128xf32, #tpu.memory_space<vmem_shared>> -> memref<128x128xf32, #tpu.memory_space<vmem_shared>>
      %dma_start3A_105 = arith.constant 0 : i32
      %dma_start3A_106 = tpu.memref_slice %arg7[%add3A_64, %dma_start3A_105] : memref<10240x128xf32, #tpu.memory_space<vmem_shared>> -> memref<128x128xf32, #tpu.memory_space<vmem_shared>>
      tpu.enqueue_dma source(%arg11 : memref<128x128xf32, #tpu.memory_space<vmem>>) target(%dma_start3A_106 : memref<128x128xf32, #tpu.memory_space<vmem_shared>>) target_semaphore(%run_scoped3A : memref<!tpu.dma_semaphore, #tpu.memory_space<semaphore_mem>>)
      %dma_wait3A_107 = arith.constant 0 : i32
      %dma_wait3A_108 = tpu.memref_slice %arg7[%add3A_64, %dma_wait3A_107] : memref<10240x128xf32, #tpu.memory_space<vmem_shared>> -> memref<128x128xf32, #tpu.memory_space<vmem_shared>>
      %dma_wait3A_109 = arith.constant 0 : i32
      %dma_wait3A_110 = tpu.memref_slice %arg7[%add3A_64, %dma_wait3A_109] : memref<10240x128xf32, #tpu.memory_space<vmem_shared>> -> memref<128x128xf32, #tpu.memory_space<vmem_shared>>
      tpu.wait_dma2 semaphore(%run_scoped3A : memref<!tpu.dma_semaphore, #tpu.memory_space<semaphore_mem>>) src(%arg11 : memref<128x128xf32, #tpu.memory_space<vmem>>) dst(%dma_wait3A_110 : memref<128x128xf32, #tpu.memory_space<vmem_shared>>)
      tpu.yield
    }) : () -> ()
    %add3A_65 = arith.constant 128 : i32
    %add3A_66 = arith.addi %mul3A_62, %add3A_65 : i32
    "tpu.region"() ({
      %run_scoped3A = tpu.sem_alloc : memref<!tpu.dma_semaphore, #tpu.memory_space<semaphore_mem>>
      %dma_start3A_103 = arith.constant 0 : i32
      %dma_start3A_104 = tpu.memref_slice %arg7[%add3A_66, %dma_start3A_103] : memref<10240x128xf32, #tpu.memory_space<vmem_shared>> -> memref<128x128xf32, #tpu.memory_space<vmem_shared>>
      %dma_start3A_105 = arith.constant 0 : i32
      %dma_start3A_106 = tpu.memref_slice %arg7[%add3A_66, %dma_start3A_105] : memref<10240x128xf32, #tpu.memory_space<vmem_shared>> -> memref<128x128xf32, #tpu.memory_space<vmem_shared>>
      tpu.enqueue_dma source(%arg11 : memref<128x128xf32, #tpu.memory_space<vmem>>) target(%dma_start3A_106 : memref<128x128xf32, #tpu.memory_space<vmem_shared>>) target_semaphore(%run_scoped3A : memref<!tpu.dma_semaphore, #tpu.memory_space<semaphore_mem>>)
      %dma_wait3A_107 = arith.constant 0 : i32
      %dma_wait3A_108 = tpu.memref_slice %arg7[%add3A_66, %dma_wait3A_107] : memref<10240x128xf32, #tpu.memory_space<vmem_shared>> -> memref<128x128xf32, #tpu.memory_space<vmem_shared>>
      %dma_wait3A_109 = arith.constant 0 : i32
      %dma_wait3A_110 = tpu.memref_slice %arg7[%add3A_66, %dma_wait3A_109] : memref<10240x128xf32, #tpu.memory_space<vmem_shared>> -> memref<128x128xf32, #tpu.memory_space<vmem_shared>>
      tpu.wait_dma2 semaphore(%run_scoped3A : memref<!tpu.dma_semaphore, #tpu.memory_space<semaphore_mem>>) src(%arg11 : memref<128x128xf32, #tpu.memory_space<vmem>>) dst(%dma_wait3A_110 : memref<128x128xf32, #tpu.memory_space<vmem_shared>>)
      tpu.yield
    }) : () -> ()
    %add3A_67 = arith.constant 256 : i32
    %add3A_68 = arith.addi %mul3A_62, %add3A_67 : i32
    "tpu.region"() ({
      %run_scoped3A = tpu.sem_alloc : memref<!tpu.dma_semaphore, #tpu.memory_space<semaphore_mem>>
      %dma_start3A_103 = arith.constant 0 : i32
      %dma_start3A_104 = tpu.memref_slice %arg7[%add3A_68, %dma_start3A_103] : memref<10240x128xf32, #tpu.memory_space<vmem_shared>> -> memref<128x128xf32, #tpu.memory_space<vmem_shared>>
      %dma_start3A_105 = arith.constant 0 : i32
      %dma_start3A_106 = tpu.memref_slice %arg7[%add3A_68, %dma_start3A_105] : memref<10240x128xf32, #tpu.memory_space<vmem_shared>> -> memref<128x128xf32, #tpu.memory_space<vmem_shared>>
      tpu.enqueue_dma source(%arg11 : memref<128x128xf32, #tpu.memory_space<vmem>>) target(%dma_start3A_106 : memref<128x128xf32, #tpu.memory_space<vmem_shared>>) target_semaphore(%run_scoped3A : memref<!tpu.dma_semaphore, #tpu.memory_space<semaphore_mem>>)
      %dma_wait3A_107 = arith.constant 0 : i32
      %dma_wait3A_108 = tpu.memref_slice %arg7[%add3A_68, %dma_wait3A_107] : memref<10240x128xf32, #tpu.memory_space<vmem_shared>> -> memref<128x128xf32, #tpu.memory_space<vmem_shared>>
      %dma_wait3A_109 = arith.constant 0 : i32
      %dma_wait3A_110 = tpu.memref_slice %arg7[%add3A_68, %dma_wait3A_109] : memref<10240x128xf32, #tpu.memory_space<vmem_shared>> -> memref<128x128xf32, #tpu.memory_space<vmem_shared>>
      tpu.wait_dma2 semaphore(%run_scoped3A : memref<!tpu.dma_semaphore, #tpu.memory_space<semaphore_mem>>) src(%arg11 : memref<128x128xf32, #tpu.memory_space<vmem>>) dst(%dma_wait3A_110 : memref<128x128xf32, #tpu.memory_space<vmem_shared>>)
      tpu.yield
    }) : () -> ()
    %add3A_69 = arith.constant 384 : i32
    %add3A_70 = arith.addi %mul3A_62, %add3A_69 : i32
    "tpu.region"() ({
      %run_scoped3A = tpu.sem_alloc : memref<!tpu.dma_semaphore, #tpu.memory_space<semaphore_mem>>
      %dma_start3A_103 = arith.constant 0 : i32
      %dma_start3A_104 = tpu.memref_slice %arg7[%add3A_70, %dma_start3A_103] : memref<10240x128xf32, #tpu.memory_space<vmem_shared>> -> memref<128x128xf32, #tpu.memory_space<vmem_shared>>
      %dma_start3A_105 = arith.constant 0 : i32
      %dma_start3A_106 = tpu.memref_slice %arg7[%add3A_70, %dma_start3A_105] : memref<10240x128xf32, #tpu.memory_space<vmem_shared>> -> memref<128x128xf32, #tpu.memory_space<vmem_shared>>
      tpu.enqueue_dma source(%arg11 : memref<128x128xf32, #tpu.memory_space<vmem>>) target(%dma_start3A_106 : memref<128x128xf32, #tpu.memory_space<vmem_shared>>) target_semaphore(%run_scoped3A : memref<!tpu.dma_semaphore, #tpu.memory_space<semaphore_mem>>)
      %dma_wait3A_107 = arith.constant 0 : i32
      %dma_wait3A_108 = tpu.memref_slice %arg7[%add3A_70, %dma_wait3A_107] : memref<10240x128xf32, #tpu.memory_space<vmem_shared>> -> memref<128x128xf32, #tpu.memory_space<vmem_shared>>
      %dma_wait3A_109 = arith.constant 0 : i32
      %dma_wait3A_110 = tpu.memref_slice %arg7[%add3A_70, %dma_wait3A_109] : memref<10240x128xf32, #tpu.memory_space<vmem_shared>> -> memref<128x128xf32, #tpu.memory_space<vmem_shared>>
      tpu.wait_dma2 semaphore(%run_scoped3A : memref<!tpu.dma_semaphore, #tpu.memory_space<semaphore_mem>>) src(%arg11 : memref<128x128xf32, #tpu.memory_space<vmem>>) dst(%dma_wait3A_110 : memref<128x128xf32, #tpu.memory_space<vmem_shared>>)
      tpu.yield
    }) : () -> ()
    %add3A_71 = arith.constant 512 : i32
    %add3A_72 = arith.addi %mul3A_62, %add3A_71 : i32
    "tpu.region"() ({
      %run_scoped3A = tpu.sem_alloc : memref<!tpu.dma_semaphore, #tpu.memory_space<semaphore_mem>>
      %dma_start3A_103 = arith.constant 0 : i32
      %dma_start3A_104 = tpu.memref_slice %arg7[%add3A_72, %dma_start3A_103] : memref<10240x128xf32, #tpu.memory_space<vmem_shared>> -> memref<128x128xf32, #tpu.memory_space<vmem_shared>>
      %dma_start3A_105 = arith.constant 0 : i32
      %dma_start3A_106 = tpu.memref_slice %arg7[%add3A_72, %dma_start3A_105] : memref<10240x128xf32, #tpu.memory_space<vmem_shared>> -> memref<128x128xf32, #tpu.memory_space<vmem_shared>>
      tpu.enqueue_dma source(%arg11 : memref<128x128xf32, #tpu.memory_space<vmem>>) target(%dma_start3A_106 : memref<128x128xf32, #tpu.memory_space<vmem_shared>>) target_semaphore(%run_scoped3A : memref<!tpu.dma_semaphore, #tpu.memory_space<semaphore_mem>>)
      %dma_wait3A_107 = arith.constant 0 : i32
      %dma_wait3A_108 = tpu.memref_slice %arg7[%add3A_72, %dma_wait3A_107] : memref<10240x128xf32, #tpu.memory_space<vmem_shared>> -> memref<128x128xf32, #tpu.memory_space<vmem_shared>>
      %dma_wait3A_109 = arith.constant 0 : i32
      %dma_wait3A_110 = tpu.memref_slice %arg7[%add3A_72, %dma_wait3A_109] : memref<10240x128xf32, #tpu.memory_space<vmem_shared>> -> memref<128x128xf32, #tpu.memory_space<vmem_shared>>
      tpu.wait_dma2 semaphore(%run_scoped3A : memref<!tpu.dma_semaphore, #tpu.memory_space<semaphore_mem>>) src(%arg11 : memref<128x128xf32, #tpu.memory_space<vmem>>) dst(%dma_wait3A_110 : memref<128x128xf32, #tpu.memory_space<vmem_shared>>)
      tpu.yield
    }) : () -> ()
    "tpu.region"() ({
      %run_scoped3A = tpu.sem_alloc : memref<!tpu.dma_semaphore, #tpu.memory_space<semaphore_mem>>
      %dma_start3A_103 = tpu.memref_slice %arg8[%mul3A_62] : memref<10240xf32, #tpu.memory_space<vmem_shared>> -> memref<640xf32, #tpu.memory_space<vmem_shared>>
      %dma_start3A_104 = tpu.memref_slice %arg8[%mul3A_62] : memref<10240xf32, #tpu.memory_space<vmem_shared>> -> memref<640xf32, #tpu.memory_space<vmem_shared>>
      tpu.enqueue_dma source(%arg13 : memref<640xf32, #tpu.memory_space<vmem>>) target(%dma_start3A_104 : memref<640xf32, #tpu.memory_space<vmem_shared>>) target_semaphore(%run_scoped3A : memref<!tpu.dma_semaphore, #tpu.memory_space<semaphore_mem>>)
      %dma_wait3A_105 = tpu.memref_slice %arg8[%mul3A_62] : memref<10240xf32, #tpu.memory_space<vmem_shared>> -> memref<640xf32, #tpu.memory_space<vmem_shared>>
      %dma_wait3A_106 = tpu.memref_slice %arg8[%mul3A_62] : memref<10240xf32, #tpu.memory_space<vmem_shared>> -> memref<640xf32, #tpu.memory_space<vmem_shared>>
      tpu.wait_dma2 semaphore(%run_scoped3A : memref<!tpu.dma_semaphore, #tpu.memory_space<semaphore_mem>>) src(%arg13 : memref<640xf32, #tpu.memory_space<vmem>>) dst(%dma_wait3A_106 : memref<640xf32, #tpu.memory_space<vmem_shared>>)
      tpu.yield
    }) : () -> ()
    %dma_wait3A = arith.constant 0 : i32
    %dma_wait3A_73 = arith.constant 0 : i32
    %dma_wait3A_74 = tpu.memref_slice %arg3[%add3A, %dma_wait3A, %dma_wait3A_73] : memref<32x79x128xi32, #tpu.memory_space<hbm>> -> memref<1x79x128xi32, #tpu.memory_space<hbm>>
    %dma_wait3A_75 = tpu.memref_squeeze %dma_wait3A_74 : memref<1x79x128xi32, #tpu.memory_space<hbm>> -> memref<79x128xi32, #tpu.memory_space<hbm>>
    %dma_wait3A_76 = arith.constant 0 : i32
    %dma_wait3A_77 = arith.constant 0 : i32
    %dma_wait3A_78 = tpu.memref_slice %arg3[%add3A, %dma_wait3A_76, %dma_wait3A_77] : memref<32x79x128xi32, #tpu.memory_space<hbm>> -> memref<1x79x128xi32, #tpu.memory_space<hbm>>
    %dma_wait3A_79 = tpu.memref_squeeze %dma_wait3A_78 : memref<1x79x128xi32, #tpu.memory_space<hbm>> -> memref<79x128xi32, #tpu.memory_space<hbm>>
    tpu.wait_dma2 semaphore(%arg14 : memref<!tpu.dma_semaphore, #tpu.memory_space<semaphore_mem>>) src(%dma_wait3A_79 : memref<79x128xi32, #tpu.memory_space<hbm>>) dst(%arg10 : memref<79x128xi32, #tpu.memory_space<vmem>>)
    %dma_wait3A_80 = arith.constant 0 : i32
    %dma_wait3A_81 = arith.constant 0 : i32
    %dma_wait3A_82 = tpu.memref_slice %arg4[%add3A, %dma_wait3A_80, %dma_wait3A_81] : memref<32x79x128xi32, #tpu.memory_space<hbm>> -> memref<1x79x128xi32, #tpu.memory_space<hbm>>
    %dma_wait3A_83 = tpu.memref_squeeze %dma_wait3A_82 : memref<1x79x128xi32, #tpu.memory_space<hbm>> -> memref<79x128xi32, #tpu.memory_space<hbm>>
    %dma_wait3A_84 = arith.constant 0 : i32
    %dma_wait3A_85 = arith.constant 0 : i32
    %dma_wait3A_86 = tpu.memref_slice %arg4[%add3A, %dma_wait3A_84, %dma_wait3A_85] : memref<32x79x128xi32, #tpu.memory_space<hbm>> -> memref<1x79x128xi32, #tpu.memory_space<hbm>>
    %dma_wait3A_87 = tpu.memref_squeeze %dma_wait3A_86 : memref<1x79x128xi32, #tpu.memory_space<hbm>> -> memref<79x128xi32, #tpu.memory_space<hbm>>
    tpu.wait_dma2 semaphore(%arg15 : memref<!tpu.dma_semaphore, #tpu.memory_space<semaphore_mem>>) src(%dma_wait3A_87 : memref<79x128xi32, #tpu.memory_space<hbm>>) dst(%arg9 : memref<79x128xi32, #tpu.memory_space<vmem>>)
    %barrier3A = arith.constant 0 : index
    tpu.barrier barrier_id(%barrier3A)
    %scan3A_88 = arith.constant 0 : i32
    %scan3A_89 = arith.constant 0 : i32
    %scan3A_90 = arith.constant 79 : i32
    %scan3A_91 = arith.addi %scan3A_89, %scan3A_90 : i32
    %scan3A_92 = arith.constant 1 : i32
    scf.for %scan3A_103 = %scan3A_89 to %scan3A_91 step %scan3A_92  : i32 {
      %dma_start3A_104 = arith.constant 0 : i32
      %dma_start3A_105 = tpu.memref_slice %arg9[%scan3A_103, %dma_start3A_104] : memref<79x128xi32, #tpu.memory_space<vmem>> -> memref<1x128xi32, #tpu.memory_space<vmem>>
      %dma_start3A_106 = tpu.memref_squeeze %dma_start3A_105 : memref<1x128xi32, #tpu.memory_space<vmem>> -> memref<128xi32, #tpu.memory_space<vmem>>
      %dma_start3A_107 = arith.constant 0 : i32
      %dma_start3A_108 = arith.constant 0 : i32
      %dma_start3A_109 = tpu.memref_slice %arg2[%dma_start3A_107, %dma_start3A_108] : memref<10000x128xf32, #tpu.memory_space<hbm>> -> memref<10000x128xf32, #tpu.memory_space<hbm>>
      tpu.enqueue_indirect_dma source(%dma_start3A_109 : memref<10000x128xf32, #tpu.memory_space<hbm>>) target(%arg11 : memref<128x128xf32, #tpu.memory_space<vmem>>) offsets(%dma_start3A_106 : memref<128xi32, #tpu.memory_space<vmem>>) semaphore(%arg14 : memref<!tpu.dma_semaphore, #tpu.memory_space<semaphore_mem>>)
      %dma_wait3A_110 = arith.constant 0 : i32
      %dma_wait3A_111 = tpu.memref_slice %arg9[%scan3A_103, %dma_wait3A_110] : memref<79x128xi32, #tpu.memory_space<vmem>> -> memref<1x128xi32, #tpu.memory_space<vmem>>
      %dma_wait3A_112 = tpu.memref_squeeze %dma_wait3A_111 : memref<1x128xi32, #tpu.memory_space<vmem>> -> memref<128xi32, #tpu.memory_space<vmem>>
      %dma_wait3A_113 = arith.constant 0 : i32
      %dma_wait3A_114 = arith.constant 0 : i32
      %dma_wait3A_115 = tpu.memref_slice %arg2[%dma_wait3A_113, %dma_wait3A_114] : memref<10000x128xf32, #tpu.memory_space<hbm>> -> memref<10000x128xf32, #tpu.memory_space<hbm>>
      tpu.wait_indirect_dma semaphore(%arg14 : memref<!tpu.dma_semaphore, #tpu.memory_space<semaphore_mem>>) src(%dma_wait3A_115 : memref<10000x128xf32, #tpu.memory_space<hbm>>) dst(%arg11 : memref<128x128xf32, #tpu.memory_space<vmem>>)
      "tpu.region"() ({
        %run_scoped3A = tpu.sem_alloc : memref<!tpu.dma_semaphore, #tpu.memory_space<semaphore_mem>>
        %dma_start3A_121 = arith.constant 0 : i32
        %dma_start3A_122 = tpu.memref_slice %arg10[%scan3A_103, %dma_start3A_121] : memref<79x128xi32, #tpu.memory_space<vmem>> -> memref<1x128xi32, #tpu.memory_space<vmem>>
        %dma_start3A_123 = tpu.memref_squeeze %dma_start3A_122 : memref<1x128xi32, #tpu.memory_space<vmem>> -> memref<128xi32, #tpu.memory_space<vmem>>
        %dma_start3A_124 = arith.constant 0 : i32
        %dma_start3A_125 = arith.constant 0 : i32
        %dma_start3A_126 = tpu.memref_slice %arg7[%dma_start3A_124, %dma_start3A_125] : memref<10240x128xf32, #tpu.memory_space<vmem_shared>> -> memref<10240x128xf32, #tpu.memory_space<vmem_shared>>
        tpu.enqueue_indirect_dma source(%arg11 : memref<128x128xf32, #tpu.memory_space<vmem>>) target(%dma_start3A_126 : memref<10240x128xf32, #tpu.memory_space<vmem_shared>>) offsets(%dma_start3A_123 : memref<128xi32, #tpu.memory_space<vmem>>) semaphore(%run_scoped3A : memref<!tpu.dma_semaphore, #tpu.memory_space<semaphore_mem>>) {add = true}
        %dma_wait3A_127 = arith.constant 0 : i32
        %dma_wait3A_128 = tpu.memref_slice %arg10[%scan3A_103, %dma_wait3A_127] : memref<79x128xi32, #tpu.memory_space<vmem>> -> memref<1x128xi32, #tpu.memory_space<vmem>>
        %dma_wait3A_129 = tpu.memref_squeeze %dma_wait3A_128 : memref<1x128xi32, #tpu.memory_space<vmem>> -> memref<128xi32, #tpu.memory_space<vmem>>
        %dma_wait3A_130 = arith.constant 0 : i32
        %dma_wait3A_131 = arith.constant 0 : i32
        %dma_wait3A_132 = tpu.memref_slice %arg7[%dma_wait3A_130, %dma_wait3A_131] : memref<10240x128xf32, #tpu.memory_space<vmem_shared>> -> memref<10240x128xf32, #tpu.memory_space<vmem_shared>>
        tpu.wait_indirect_dma semaphore(%run_scoped3A : memref<!tpu.dma_semaphore, #tpu.memory_space<semaphore_mem>>) src(%arg11 : memref<128x128xf32, #tpu.memory_space<vmem>>) dst(%dma_wait3A_132 : memref<10240x128xf32, #tpu.memory_space<vmem_shared>>)
        tpu.yield
      }) : () -> ()
      %dma_start3A_116 = arith.constant 0 : i32
      %dma_start3A_117 = tpu.memref_slice %arg10[%scan3A_103, %dma_start3A_116] : memref<79x128xi32, #tpu.memory_space<vmem>> -> memref<1x128xi32, #tpu.memory_space<vmem>>
      %dma_start3A_118 = tpu.memref_squeeze %dma_start3A_117 : memref<1x128xi32, #tpu.memory_space<vmem>> -> memref<128xi32, #tpu.memory_space<vmem>>
      %dma_start3A_119 = arith.constant 0 : i32
      %dma_start3A_120 = tpu.memref_slice %arg8[%dma_start3A_119] : memref<10240xf32, #tpu.memory_space<vmem_shared>> -> memref<10240xf32, #tpu.memory_space<vmem_shared>>
      tpu.enqueue_indirect_dma source(%arg12 : memref<128xf32, #tpu.memory_space<vmem>>) target(%dma_start3A_120 : memref<10240xf32, #tpu.memory_space<vmem_shared>>) offsets(%dma_start3A_118 : memref<128xi32, #tpu.memory_space<vmem>>) semaphore(%arg15 : memref<!tpu.dma_semaphore, #tpu.memory_space<semaphore_mem>>) {add = true}
    }
    %scan3A_93 = arith.constant 79 : i32
    %dma_wait3A_94 = arith.constant 0 : i32
    %dma_wait3A_95 = arith.constant 0 : i32
    %dma_wait3A_96 = tpu.memref_slice %arg3[%add3A, %dma_wait3A_94, %dma_wait3A_95] : memref<32x79x128xi32, #tpu.memory_space<hbm>> -> memref<1x79x128xi32, #tpu.memory_space<hbm>>
    %dma_wait3A_97 = tpu.memref_squeeze %dma_wait3A_96 : memref<1x79x128xi32, #tpu.memory_space<hbm>> -> memref<79x128xi32, #tpu.memory_space<hbm>>
    %dma_wait3A_98 = arith.constant 0 : i32
    %dma_wait3A_99 = arith.constant 0 : i32
    %dma_wait3A_100 = tpu.memref_slice %arg3[%add3A, %dma_wait3A_98, %dma_wait3A_99] : memref<32x79x128xi32, #tpu.memory_space<hbm>> -> memref<1x79x128xi32, #tpu.memory_space<hbm>>
    %dma_wait3A_101 = tpu.memref_squeeze %dma_wait3A_100 : memref<1x79x128xi32, #tpu.memory_space<hbm>> -> memref<79x128xi32, #tpu.memory_space<hbm>>
    tpu.wait_dma2 semaphore(%arg15 : memref<!tpu.dma_semaphore, #tpu.memory_space<semaphore_mem>>) src(%dma_wait3A_101 : memref<79x128xi32, #tpu.memory_space<hbm>>) dst(%arg10 : memref<79x128xi32, #tpu.memory_space<vmem>>)
    %barrier3A_102 = arith.constant 0 : index
    tpu.barrier barrier_id(%barrier3A_102)
    "tpu.region"() ({
      %run_scoped3A = tpu.sem_alloc : memref<!tpu.dma_semaphore, #tpu.memory_space<semaphore_mem>>
      %dma_start3A_103 = arith.constant 0 : i32
      %dma_start3A_104 = tpu.memref_slice %arg5[%arg0, %mul3A_62, %dma_start3A_103] : memref<2x10240x128xf32, #tpu.memory_space<hbm>> -> memref<1x640x128xf32, #tpu.memory_space<hbm>>
      %dma_start3A_105 = tpu.memref_squeeze %dma_start3A_104 : memref<1x640x128xf32, #tpu.memory_space<hbm>> -> memref<640x128xf32, #tpu.memory_space<hbm>>
      %dma_start3A_106 = arith.constant 0 : i32
      %dma_start3A_107 = tpu.memref_slice %arg7[%mul3A_62, %dma_start3A_106] : memref<10240x128xf32, #tpu.memory_space<vmem_shared>> -> memref<640x128xf32, #tpu.memory_space<vmem_shared>>
      tpu.enqueue_dma source(%dma_start3A_107 : memref<640x128xf32, #tpu.memory_space<vmem_shared>>) target(%dma_start3A_105 : memref<640x128xf32, #tpu.memory_space<hbm>>) target_semaphore(%run_scoped3A : memref<!tpu.dma_semaphore, #tpu.memory_space<semaphore_mem>>)
      %dma_wait3A_108 = arith.constant 0 : i32
      %dma_wait3A_109 = tpu.memref_slice %arg5[%arg0, %mul3A_62, %dma_wait3A_108] : memref<2x10240x128xf32, #tpu.memory_space<hbm>> -> memref<1x640x128xf32, #tpu.memory_space<hbm>>
      %dma_wait3A_110 = tpu.memref_squeeze %dma_wait3A_109 : memref<1x640x128xf32, #tpu.memory_space<hbm>> -> memref<640x128xf32, #tpu.memory_space<hbm>>
      %dma_wait3A_111 = arith.constant 0 : i32
      %dma_wait3A_112 = tpu.memref_slice %arg7[%mul3A_62, %dma_wait3A_111] : memref<10240x128xf32, #tpu.memory_space<vmem_shared>> -> memref<640x128xf32, #tpu.memory_space<vmem_shared>>
      tpu.wait_dma2 semaphore(%run_scoped3A : memref<!tpu.dma_semaphore, #tpu.memory_space<semaphore_mem>>) src(%dma_wait3A_112 : memref<640x128xf32, #tpu.memory_space<vmem_shared>>) dst(%dma_wait3A_110 : memref<640x128xf32, #tpu.memory_space<hbm>>)
      tpu.yield
    }) : () -> ()
    "tpu.region"() ({
      %run_scoped3A = tpu.sem_alloc : memref<!tpu.dma_semaphore, #tpu.memory_space<semaphore_mem>>
      %dma_start3A_103 = tpu.memref_slice %arg6[%arg0, %mul3A_62] : memref<2x10240xf32, #tpu.memory_space<hbm>> -> memref<1x640xf32, #tpu.memory_space<hbm>>
      %dma_start3A_104 = tpu.memref_squeeze %dma_start3A_103 : memref<1x640xf32, #tpu.memory_space<hbm>> -> memref<640xf32, #tpu.memory_space<hbm>>
      %dma_start3A_105 = tpu.memref_slice %arg8[%mul3A_62] : memref<10240xf32, #tpu.memory_space<vmem_shared>> -> memref<640xf32, #tpu.memory_space<vmem_shared>>
      tpu.enqueue_dma source(%dma_start3A_105 : memref<640xf32, #tpu.memory_space<vmem_shared>>) target(%dma_start3A_104 : memref<640xf32, #tpu.memory_space<hbm>>) target_semaphore(%run_scoped3A : memref<!tpu.dma_semaphore, #tpu.memory_space<semaphore_mem>>)
      %dma_wait3A_106 = tpu.memref_slice %arg6[%arg0, %mul3A_62] : memref<2x10240xf32, #tpu.memory_space<hbm>> -> memref<1x640xf32, #tpu.memory_space<hbm>>
      %dma_wait3A_107 = tpu.memref_squeeze %dma_wait3A_106 : memref<1x640xf32, #tpu.memory_space<hbm>> -> memref<640xf32, #tpu.memory_space<hbm>>
      %dma_wait3A_108 = tpu.memref_slice %arg8[%mul3A_62] : memref<10240xf32, #tpu.memory_space<vmem_shared>> -> memref<640xf32, #tpu.memory_space<vmem_shared>>
      tpu.wait_dma2 semaphore(%run_scoped3A : memref<!tpu.dma_semaphore, #tpu.memory_space<semaphore_mem>>) src(%dma_wait3A_108 : memref<640xf32, #tpu.memory_space<vmem_shared>>) dst(%dma_wait3A_107 : memref<640xf32, #tpu.memory_space<hbm>>)
      tpu.yield
    }) : () -> ()
    return
  }
}

module attributes {stable_mosaic.version = 14 : i64} {
  func.func @_tc_mlp_kernel(%arg0: i32, %arg1: memref<2000x128xf32, #tpu.memory_space<vmem>>, %arg2: memref<2x2000x128xf32, #tpu.memory_space<vmem>>, %arg3: memref<2x2000x1xf32, #tpu.memory_space<vmem>>, %arg4: memref<128x128xf32, #tpu.memory_space<vmem>>, %arg5: memref<1x128xf32, #tpu.memory_space<vmem>>, %arg6: memref<128x128xf32, #tpu.memory_space<vmem>>, %arg7: memref<1x128xf32, #tpu.memory_space<vmem>>, %arg8: memref<2000x128xf32, #tpu.memory_space<vmem>>) attributes {dimension_semantics = [#tpu.dimension_semantics<arbitrary>], iteration_bounds = array<i64: 5>, scalar_prefetch = 0 : i64, scratch_operands = 0 : i64, tpu.core_type = #tpu.core_type<tc>, window_params = [{transform_indices = @transform_0, window_bounds = array<i64: 2000, 128>}, {transform_indices = @transform_1, window_bounds = array<i64: 2, 2000, 128>}, {transform_indices = @transform_2, window_bounds = array<i64: 2, 2000, 1>}, {pipeline_mode = #tpu.pipeline_mode<synchronous>, transform_indices = @transform_3, window_bounds = array<i64: 128, 128>}, {pipeline_mode = #tpu.pipeline_mode<synchronous>, transform_indices = @transform_4, window_bounds = array<i64: 1, 128>}, {pipeline_mode = #tpu.pipeline_mode<synchronous>, transform_indices = @transform_5, window_bounds = array<i64: 128, 128>}, {pipeline_mode = #tpu.pipeline_mode<synchronous>, transform_indices = @transform_6, window_bounds = array<i64: 1, 128>}, {transform_indices = @transform_7, window_bounds = array<i64: 2000, 128>}]} {
    %get3A = arith.constant 0 : index
    %get3A_0 = arith.constant 0 : index
    %get3A_1 = arith.constant 0 : index
    %get3A_2 = vector.load %arg2[%get3A, %get3A_0, %get3A_1] : memref<2x2000x128xf32, #tpu.memory_space<vmem>>, vector<1x2000x128xf32>
    %get3A_3 = vector.shape_cast %get3A_2 : vector<1x2000x128xf32> to vector<2000x128xf32>
    %get3A_4 = arith.constant 1 : index
    %get3A_5 = arith.constant 0 : index
    %get3A_6 = arith.constant 0 : index
    %get3A_7 = vector.load %arg2[%get3A_4, %get3A_5, %get3A_6] : memref<2x2000x128xf32, #tpu.memory_space<vmem>>, vector<1x2000x128xf32>
    %get3A_8 = vector.shape_cast %get3A_7 : vector<1x2000x128xf32> to vector<2000x128xf32>
    %add3A = arith.addf %get3A_3, %get3A_8 : vector<2000x128xf32>
    %get3A_9 = arith.constant 0 : index
    %get3A_10 = arith.constant 0 : index
    %get3A_11 = arith.constant 0 : index
    %get3A_12 = vector.load %arg3[%get3A_9, %get3A_10, %get3A_11] : memref<2x2000x1xf32, #tpu.memory_space<vmem>>, vector<1x2000x1xf32>
    %get3A_13 = vector.shape_cast %get3A_12 : vector<1x2000x1xf32> to vector<2000x1xf32>
    %get3A_14 = arith.constant 1 : index
    %get3A_15 = arith.constant 0 : index
    %get3A_16 = arith.constant 0 : index
    %get3A_17 = vector.load %arg3[%get3A_14, %get3A_15, %get3A_16] : memref<2x2000x1xf32, #tpu.memory_space<vmem>>, vector<1x2000x1xf32>
    %get3A_18 = vector.shape_cast %get3A_17 : vector<1x2000x1xf32> to vector<2000x1xf32>
    %add3A_19 = arith.addf %get3A_13, %get3A_18 : vector<2000x1xf32>
    %max3A = arith.constant 1.000000e+00 : f32
    %max3A_20 = vector.broadcast %max3A : f32 to vector<2000x1xf32>
    %max3A_21 = arith.maximumf %add3A_19, %max3A_20 : vector<2000x1xf32>
    %div3A = vector.broadcast %max3A_21 : vector<2000x1xf32> to vector<2000x128xf32>
    %div3A_22 = arith.divf %add3A, %div3A : vector<2000x128xf32>
    %get3A_23 = arith.constant 0 : index
    %get3A_24 = arith.constant 0 : index
    %get3A_25 = vector.load %arg4[%get3A_23, %get3A_24] : memref<128x128xf32, #tpu.memory_space<vmem>>, vector<128x128xf32>
    %dot_general3A = arith.constant dense<0.000000e+00> : vector<2000x128xf32>
    %dot_general3A_26 = tpu.matmul %div3A_22, %get3A_25, %dot_general3A {dimension_numbers = #tpu.dot_dimension_numbers<[1], [0], [0], [1], [0, 0, 1, 1], [], []>, transpose_lhs_hint = false} : vector<2000x128xf32>, vector<128x128xf32>, vector<2000x128xf32> -> vector<2000x128xf32>
    %get3A_27 = arith.constant 0 : index
    %get3A_28 = arith.constant 0 : index
    %get3A_29 = vector.load %arg5[%get3A_27, %get3A_28] : memref<1x128xf32, #tpu.memory_space<vmem>>, vector<1x128xf32>
    %add3A_30 = vector.broadcast %get3A_29 : vector<1x128xf32> to vector<2000x128xf32>
    %add3A_31 = arith.addf %dot_general3A_26, %add3A_30 : vector<2000x128xf32>
    %ge3A = arith.constant 0.000000e+00 : f32
    %ge3A_32 = vector.broadcast %ge3A : f32 to vector<2000x128xf32>
    %ge3A_33 = arith.cmpf oge, %add3A_31, %ge3A_32 : vector<2000x128xf32>
    %mul3A = arith.constant 0.00999999977 : f32
    %mul3A_34 = vector.broadcast %mul3A : f32 to vector<2000x128xf32>
    %mul3A_35 = arith.mulf %mul3A_34, %add3A_31 : vector<2000x128xf32>
    %select_n3A = arith.select %ge3A_33, %add3A_31, %mul3A_35 : vector<2000x128xi1>, vector<2000x128xf32>
    %get3A_36 = arith.constant 0 : index
    %get3A_37 = arith.constant 0 : index
    %get3A_38 = vector.load %arg6[%get3A_36, %get3A_37] : memref<128x128xf32, #tpu.memory_space<vmem>>, vector<128x128xf32>
    %dot_general3A_39 = arith.constant dense<0.000000e+00> : vector<2000x128xf32>
    %dot_general3A_40 = tpu.matmul %select_n3A, %get3A_38, %dot_general3A_39 {dimension_numbers = #tpu.dot_dimension_numbers<[1], [0], [0], [1], [0, 0, 1, 1], [], []>, transpose_lhs_hint = false} : vector<2000x128xf32>, vector<128x128xf32>, vector<2000x128xf32> -> vector<2000x128xf32>
    %get3A_41 = arith.constant 0 : index
    %get3A_42 = arith.constant 0 : index
    %get3A_43 = vector.load %arg7[%get3A_41, %get3A_42] : memref<1x128xf32, #tpu.memory_space<vmem>>, vector<1x128xf32>
    %add3A_44 = vector.broadcast %get3A_43 : vector<1x128xf32> to vector<2000x128xf32>
    %add3A_45 = arith.addf %dot_general3A_40, %add3A_44 : vector<2000x128xf32>
    %gt3A = arith.constant 0.000000e+00 : f32
    %gt3A_46 = vector.broadcast %gt3A : f32 to vector<2000x1xf32>
    %gt3A_47 = arith.cmpf ogt, %add3A_19, %gt3A_46 : vector<2000x1xf32>
    %jit3A = arith.constant 0.000000e+00 : f32
    %broadcast_in_dim3A = vector.shape_cast %gt3A_47 : vector<2000x1xi1> to vector<2000x1xi1>
    %broadcast_in_dim3A_48 = vector.broadcast %broadcast_in_dim3A : vector<2000x1xi1> to vector<2000x128xi1>
    %broadcast_in_dim3A_49 = vector.broadcast %jit3A : f32 to vector<2000x128xf32>
    %select_n3A_50 = arith.select %broadcast_in_dim3A_48, %add3A_45, %broadcast_in_dim3A_49 : vector<2000x128xi1>, vector<2000x128xf32>
    %get3A_51 = arith.constant 0 : index
    %get3A_52 = arith.constant 0 : index
    %get3A_53 = vector.load %arg1[%get3A_51, %get3A_52] : memref<2000x128xf32, #tpu.memory_space<vmem>>, vector<2000x128xf32>
    %add3A_54 = arith.addf %get3A_53, %select_n3A_50 : vector<2000x128xf32>
    %swap3A = arith.constant 0 : index
    %swap3A_55 = arith.constant 0 : index
    %swap3A_56 = vector.load %arg8[%swap3A, %swap3A_55] : memref<2000x128xf32, #tpu.memory_space<vmem>>, vector<2000x128xf32>
    tpu.vector_store %arg8[%swap3A, %swap3A_55], %add3A_54 {strides = array<i32>} : memref<2000x128xf32, #tpu.memory_space<vmem>>, vector<2000x128xf32>,
    return
  }
  func.func @transform_0(%arg0: i32) -> (i32, i32) {
    %c0_i32 = arith.constant 0 : i32
    %c0_i32_0 = arith.constant 0 : i32
    return %arg0, %c0_i32 : i32, i32
  }
  func.func @transform_1(%arg0: i32) -> (i32, i32, i32) {
    %c0_i32 = arith.constant 0 : i32
    %c0_i32_0 = arith.constant 0 : i32
    %c0_i32_1 = arith.constant 0 : i32
    return %c0_i32, %arg0, %c0_i32_0 : i32, i32, i32
  }
  func.func @transform_2(%arg0: i32) -> (i32, i32, i32) {
    %c0_i32 = arith.constant 0 : i32
    %c0_i32_0 = arith.constant 0 : i32
    %c0_i32_1 = arith.constant 0 : i32
    return %c0_i32, %arg0, %c0_i32_0 : i32, i32, i32
  }
  func.func @transform_3(%arg0: i32) -> (i32, i32) {
    %c0_i32 = arith.constant 0 : i32
    %c0_i32_0 = arith.constant 0 : i32
    %c0_i32_1 = arith.constant 0 : i32
    return %c0_i32, %c0_i32_0 : i32, i32
  }
  func.func @transform_4(%arg0: i32) -> (i32, i32) {
    %c0_i32 = arith.constant 0 : i32
    %c0_i32_0 = arith.constant 0 : i32
    %c0_i32_1 = arith.constant 0 : i32
    return %c0_i32, %c0_i32_0 : i32, i32
  }
  func.func @transform_5(%arg0: i32) -> (i32, i32) {
    %c0_i32 = arith.constant 0 : i32
    %c0_i32_0 = arith.constant 0 : i32
    %c0_i32_1 = arith.constant 0 : i32
    return %c0_i32, %c0_i32_0 : i32, i32
  }
  func.func @transform_6(%arg0: i32) -> (i32, i32) {
    %c0_i32 = arith.constant 0 : i32
    %c0_i32_0 = arith.constant 0 : i32
    %c0_i32_1 = arith.constant 0 : i32
    return %c0_i32, %c0_i32_0 : i32, i32
  }
  func.func @transform_7(%arg0: i32) -> (i32, i32) {
    %c0_i32 = arith.constant 0 : i32
    %c0_i32_0 = arith.constant 0 : i32
    return %arg0, %c0_i32 : i32, i32
  }
}

</mosaic_0001>

<sc_bundles>
// kernel: kernel.4.cloned.1.call-start
scs
__scs_entry_jumppad:
0x0: {  	(pc) =	sbr.rel $0x88, $3  }
0x1: {  	(tag) =	ssettag $0x0;
	lr =	simm.s32 $0x1  }
0x2: {  	[smem:$0x3F9B] =	sst lr;
	_ =	strace $0xD0000000  }
0x3: {  	_ = 	snop  }
0x4: {  	_ = 	snop  }
0x5: {  	_ = 	snop  }
0x6: {  	_ = 	snop  }
0x7: {  	_ = 	snop  }
__scs_overlays_trampoline_lowered:
0x8: {  	[smem:$0x3FAA] =	sst s0  }
0x9: {  	[smem:$0x3FAB] =	sst s1  }
0xa: {  	[smem:$0x3FAC] =	sst s2  }
0xb: {  	[smem:$0x3FAD] =	sst s3  }
0xc: {  	[smem:$0x3FAE] =	sst s4  }
0xd: {  	[smem:$0x3FAF] =	sst s5  }
0xe: {  	[smem:$0x3FB0] =	sst s6  }
0xf: {  	[smem:$0x3FB1] =	sst s7  }
0x10: {  	[smem:$0x3FB2] =	sst s8  }
0x11: {  	[smem:$0x3FB3] =	sst s9;
	s0 =	simm.s32 @!p0 $0x0  }
0x12: {  	s1 =	sld [smem:$0x3F99];
	s0 =	simm.s32 @p0 $0x1  }
0x13: {  	[smem:$0x3FB4] =	sst s0;
	s0 =	simm.s32 @!p1 $0x0  }
0x14: {  	s2 =	sld [smem:$0x3F98];
	s0 =	simm.s32 @p1 $0x1  }
0x15: {  	[smem:$0x3FB5] =	sst s0;
	s0 =	simm.s32 @!p2 $0x0  }
0x16: {  	s3 =	sld [smem:$0x3FDB];
	s0 =	simm.s32 @p2 $0x1  }
0x17: {  	s4 =	simm.s32 $0x1BF5;
	[smem:$0x3FB7] =	sst s0  }
0x18: {  	s0 =	sld [smem:$0x3F9A];
	_ =	swait.ge [sflag:s4], $0x0  }
0x19: {  	s7 =	sld [smem:$0x3F9B]  }
0x1a: {  	s8 =	sadd.s32 $0xFFFFE003, lr  }
0x1b: {  	s9 =	sadd.s32 $0xFFFFFEF7, lr;
	s5 =	simm.s32 $0xFFFFFFFF;
	p2 =	slt.u32 s8, $0xFFFFF086  }
0x1c: {  	p1 =	slt.u32 s9, $0xF7A;
	s5 =	simm.s32 @!p2 $0x0  }
0x1d: {  	s5 =	simm.s32 @p1 $0x1;
	p0 =	seq.s32 s7, s2  }
0x1e: {  	s7 =	smul.u32 @!p0 $0xF7A, s2;
	p2 =	seq.s32 @!p0 s5, $0x0  }
0x1f: {  	s9 =	smul.u32 $0xF7A, s1;
	s8 =	simm.s32 @!p0 $0x1BF5;
	p2 =	por !p2, p0  }
0x20: {  	[sflag:s8] =	ssyncset.s32 @!p0 $0xFFFFF086;
	s6 =	sadd.s32 @!p0 s3, s7;
	s7 =	simm.s32 @!p0 $0x108  }
0x21: {  	s3 =	sadd.s32 s3, s9;
	s6 =	sadd.s32 @!p0 $0x88, s6;
	s7 =	simm.s32 @p2 $0x1082  }
0x22: {  	[simem:s7], [sflag:s8] =	dma.local @!p0 [hbm:s6], $0xF7A  }
0x23: {  	s9 =	sor.u32 $0xD0000000, s2;
	s6 =	simm.s32 $0x108;
	_ =	swait.ge @!p0 [sflag:s8], $0x0  }
0x24: {  	s3 =	sadd.s32 $0x88, s3;
	s6 =	simm.s32 @!p1 $0x1082;
	[sflag:s4] =	ssyncset.s32 $0xFFFFF086  }
0x25: {  	[simem:s6], [sflag:s4] =	dma.local [hbm:s3], $0xF7A  }
0x26: {  	[smem:$0x3F9B] =	sst s1;
	(tag) =	ssettag s2;
	_ =	strace s9  }
0x27: {  	s1 =	sld [smem:$0x3FAB]  }
0x28: {  	s2 =	sld [smem:$0x3FAC]  }
0x29: {  	s4 =	sld [smem:$0x3FAE]  }
0x2a: {  	p0 =	seq.s32 s5, $0x0;
	s5 =	sld [smem:$0x3FAF]  }
0x2b: {  	s6 =	sld [smem:$0x3FB0]  }
0x2c: {  	s7 =	sld [smem:$0x3FB1]  }
0x2d: {  	s3 =	simm.s32 $0x108;
	s8 =	sld [smem:$0x3FB2]  }
0x2e: {  	s3 =	simm.s32 @!p0 $0x1082;
	s9 =	sld [smem:$0x3FB3]  }
0x2f: {  	lr =	sadd.s32 s0, s3;
	s0 =	sld [smem:$0x3FAA]  }
0x30: {  	s3 =	sld [smem:$0x3FAD]  }
0x31: {  	[smem:$0x3FB6] =	sst s10  }
0x32: {  	s10 =	sld [smem:$0x3FB4];
	_ =	sdelay $0x3  }
0x33: {  	p0 =	seq.s32 s10, $0x1;
	s10 =	sld [smem:$0x3FB6];
	_ =	sdelay $0x3  }
0x34: {  	[smem:$0x3FB6] =	sst s10  }
0x35: {  	s10 =	sld [smem:$0x3FB5];
	_ =	sdelay $0x3  }
0x36: {  	p1 =	seq.s32 s10, $0x1;
	s10 =	sld [smem:$0x3FB6];
	_ =	sdelay $0x3  }
0x37: {  	[smem:$0x3FB6] =	sst s10  }
0x38: {  	s10 =	sld [smem:$0x3FB7]  }
0x39: {  	_ = 	snop;
	(pc) =	sbr.ind lr, $3  }
0x3a: {  	_ = 	snop  }
0x3b: {  	_ = 	snop  }
0x3c: {  	p2 =	seq.s32 s10, $0x1;
	s10 =	sld [smem:$0x3FB6]  }
0x3d: {  	_ =	shalt  }
0x3e: {  	_ =	shalt  }
0x3f: {  	_ =	shalt  }
0x40: {  	_ =	shalt  }
0x41: {  	_ =	shalt  }
0x42: {  	_ =	shalt  }
0x43: {  	_ =	shalt  }
0x44: {  	_ =	shalt  }
0x45: {  	_ =	shalt  }
0x46: {  	_ =	shalt  }
0x47: {  	_ =	shalt  }
0x48: {  	_ =	shalt  }
0x49: {  	_ =	shalt  }
0x4a: {  	_ =	shalt  }
0x4b: {  	_ =	shalt  }
0x4c: {  	_ =	shalt  }
0x4d: {  	_ =	shalt  }
0x4e: {  	_ =	shalt  }
0x4f: {  	_ =	shalt  }
0x50: {  	_ =	shalt  }
0x51: {  	_ =	shalt  }
0x52: {  	_ =	shalt  }
0x53: {  	_ =	shalt  }
0x54: {  	_ =	shalt  }
0x55: {  	_ =	shalt  }
0x56: {  	_ =	shalt  }
0x57: {  	_ =	shalt  }
0x58: {  	_ =	shalt  }
0x59: {  	_ =	shalt  }
0x5a: {  	_ =	shalt  }
0x5b: {  	_ =	shalt  }
0x5c: {  	_ =	shalt  }
0x5d: {  	_ =	shalt  }
0x5e: {  	_ =	shalt  }
0x5f: {  	_ =	shalt  }
0x60: {  	_ =	shalt  }
0x61: {  	_ =	shalt  }
0x62: {  	_ =	shalt  }
0x63: {  	_ =	shalt  }
0x64: {  	_ =	shalt  }
0x65: {  	_ =	shalt  }
0x66: {  	_ =	shalt  }
0x67: {  	_ =	shalt  }
0x68: {  	_ =	shalt  }
0x69: {  	_ =	shalt  }
0x6a: {  	_ =	shalt  }
0x6b: {  	_ =	shalt  }
0x6c: {  	_ =	shalt  }
0x6d: {  	_ =	shalt  }
0x6e: {  	_ =	shalt  }
0x6f: {  	_ =	shalt  }
0x70: {  	_ =	shalt  }
0x71: {  	_ =	shalt  }
0x72: {  	_ =	shalt  }
0x73: {  	_ =	shalt  }
0x74: {  	_ =	shalt  }
0x75: {  	_ =	shalt  }
0x76: {  	_ =	shalt  }
0x77: {  	_ =	shalt  }
0x78: {  	_ =	shalt  }
0x79: {  	_ =	shalt  }
0x7a: {  	_ =	shalt  }
0x7b: {  	_ =	shalt  }
0x7c: {  	_ =	shalt  }
0x7d: {  	_ =	shalt  }
0x7e: {  	_ =	shalt  }
0x7f: {  	_ =	shalt  }
0x80: {  	_ =	shalt  }
0x81: {  	_ =	shalt  }
0x82: {  	_ =	shalt  }
0x83: {  	_ =	shalt  }
0x84: {  	_ =	shalt  }
0x85: {  	_ =	shalt  }
0x86: {  	_ =	shalt  }
0x87: {  	_ =	shalt  }
.Lfunc_end0:
.L_simem_size_0:
called_computation_lowered:
.L_overlay_start_0:
0x88: {  	s2 =	sld [smem:$0x3FD9]  }
0x89: {  	s3 =	sld [smem:$0x3FFE];
	_ =	sdelay $0x1  }
0x8a: {  	s1 =	srdreg.scid  }
0x8b: {  	s0 =	sand.u32 $0x1, s1  }
0x8c: {  	s17 =	sshll.u32 s0, $0xA;
	s2 =	sadd.s32 s3, s2  }
0x8d: {  	s2 =	sadd.s32 s2, s17  }
0x8e: {  	[smem:$0x3FC2] =	sst s2  }
0x8f: {  	_ = 	snop  }
0x90: {  	s2 =	sld [smem:$0x3FC9]  }
0x91: {  	s18 =	sld [smem:$0x3FD0];
	(tm) =	ssettm $0x1  }
0x92: {  	s4 =	sld [smem:$0x3FFB];
	_ =	sdelay $0x3  }
0x93: {  	_ =	strace s4  }
0x94: {  	s4 =	sld [smem:$0x3FFC];
	_ =	sdelay $0x3  }
0x95: {  	_ =	strace s4  }
0x96: {  	s4 =	sld [smem:$0x3FFD];
	_ =	sdelay $0x3  }
0x97: {  	_ =	strace s4  }
0x98: {  	_ =	strace $0x8FFFFFFF  }
0x99: {  	s19 =	sld [smem:$0x3FDB];
	_ =	sdelay $0x1  }
0x9a: {  	s5 =	simm.s32 $_scs_section_size  }
0x9b: {  	s6 =	simm.s32 $_size__tile_overlayer_lowered;
	s7 =	simm.s32 $_tile_overlayer_lowered  }
0x9c: {  	s22 =	simm.s32 $0x1BFF;
	s21 =	sshll.u32 s7, $0x1;
	s4 =	sadd.s32 s5, s19  }
0x9d: {  	s8 =	simm.s32 $0x0;
	s20 =	sshll.u32 s6, $0x1;
	s6 =	sadd.s32 s21, s4  }
0x9e: {  	[timem:s8], [sflag:s22] =	dma.local [hbm:s6], s20  }
0x9f: {  	_ =	swait.ge [sflag:s22], s20  }
0xa0: {  	s5 =	ssub.s32 $0x0, s20;
	[sflag:s22] =	ssyncset.done $0x0  }
0xa1: {  	[sflag:s22] =	ssyncadd.s32 s5;
	_ =	sdelay $0x1  }
0xa2: {  	s23 =	simm.s32 $0x1B8B  }
0xa3: {  	_ =	swait.ge [sflag:s23], $0x1  }
0xa4: {  	[sflag:s23] =	ssyncset.done $0x0  }
0xa5: {  	s25 =	simm.s32 $0x1B8E;
	s24 =	sld [smem:$0x3FFE];
	[sflag:s23] =	ssyncadd.s32 $0xFFFFFFFF  }
0xa6: {  	s26 =	simm.s32 $execute0_lowered;
	[smem:$0x3FD2] =	sst s25  }
0xa7: {  	s6 =	sshll.u32 s26, $0x1;
	_ =	strace $0x80000046;
	[dreg:$0x1] =	wrdreg $0xFFFFFFFF  }
0xa8: {  	s28 =	simm.s32 $_size_execute0_lowered;
	s4 =	sadd.s32 s4, s6;
	[dreg:$0x0] =	wrdreg $0x0  }
0xa9: {  	s6 =	sshll.u32 s28, $0x1;
	[dreg:$0x2] =	wrdreg s4  }
0xaa: {  	[dreg:$0x3] =	wrdreg s6  }
0xab: {  	[dreg:$0x4] =	wrdreg $0xC0  }
0xac: {  	_ =	task [dreg:s8], $0x5FFFF  }
0xad: {  	[dreg:$0x1] =	wrdreg $0xFFFFFFFF  }
0xae: {  	[dreg:$0x0] =	wrdreg $0x60  }
0xaf: {  	[dreg:$0x2] =	wrdreg s2  }
0xb0: {  	[dreg:$0x3] =	wrdreg s18  }
0xb1: {  	[dreg:$0x4] =	wrdreg s24  }
0xb2: {  	[dreg:$0x5] =	wrdreg $0x0  }
0xb3: {  	[dreg:$0x6] =	wrdreg $0x140000  }
0xb4: {  	[dreg:$0x7] =	wrdreg $0x9  }
0xb5: {  	_ =	task.clear_ibuf [dreg:s8], $0x8FFFF;
	_ =	strace $0x90000046  }
0xb6: {  	s29 =	simm.s32 $0x9;
	_ =	strace $0x80000048  }
0xb7: {  	_ =	swait.ge [sflag:s29], $0x1  }
0xb8: {  	[sflag:s29] =	ssyncadd.s32 $0xFFFFFFFF  }
0xb9: {  	_ =	strace $0x90000048  }
0xba: {  	_ =	sfence  }
0xbb: {  	s30 =	sld [smem:$0x0];
	_ =	sdelay $0x2  }
0xbc: {  	s31 =	sshll.u32 s1, $0xD;
	s1 =	sshrl.u32 s1, $0x2  }
0xbd: {  	s3 =	sand.u32 $0x4000, s31;
	s1 =	sadd.s32 s1, s30  }
0xbe: {  	s0 =	sor.u32 s3, s0;
	s1 =	sshll.u32 s1, $0x11  }
0xbf: {  	s0 =	sor.u32 s1, s0  }
0xc0: {  	s0 =	sadd.s32 $0x8F2B, s0  }
0xc1: {  	[sflag:s0] =	ssyncadd.remote.s32 $0x1  }
0xc2: {  	_ =	sfence.sel $0xFFFF  }
0xc3: {  	[dreg:$0x0] =	wrdreg $0xFFFFFFFF;
	(pc) =	sbr.abs _section_cstart, $3  }
0xc4: {  	[dreg:$0x1] =	wrdreg $0xFFFFFFFF  }
0xc5: {  	_ =	task.clear_ibuf [dreg:s8], $0x2FFFF;
	_ =	strace $0x9FFFFFFF  }
0xc6: {  	(tm) =	ssettm $0x7FFFFFFF  }
0xc7: {  	_ =	shalt  }
tec
execute0_lowered:
.L_overlay_start_1:
0x0: {  	(tag) =	ssettag $0x1  }
0x1: {  	s1 =	rddreg [dreg:$0x0]  }
0x2: {  	s0 =	srdreg.scid;
	s6 =	rddreg [dreg:$0x1]  }
0x3: {  	s23 =	stileid.u32;
	s7 =	rddreg [dreg:$0x2];
	s5 =	simm.s32 $0x0  }
0x4: {  	s18 =	simm.s32 $0x14280;
	s19 =	simm.s32 $0x19280;
	s10 =	smul.u32 $0x14000, s23  }
0x5: {  	s20 =	simm.s32 $0x3;
	s21 =	simm.s32 $0x1D300;
	s11 =	smul.u32 $0x500, s23  }
0x6: {  	s22 =	simm.s32 $0x1;
	s28 =	simm.s32 $0x10;
	s25 =	smul.u32 $0x50000, s23  }
0x7: {  	s29 =	simm.s32 $0x0;
	s2 =	sand.u32 $0x1, s0;
	s31 =	smul.u32 $0xA00, s23  }
0x8: {  	[smem:$0x7FF] =	sst s5;
	s3 =	sshll.u32 s2, $0x4;
	s9 =	smul.u32 $0x140000, s2  }
0x9: {  	s24 =	sshll.u32 s2, $0x7;
	s2 =	ssub.s32 $0x2, s2;
	s4 =	sor.u32 s23, s3  }
0xa: {  	s3 =	rddreg [dreg:$0x3];
	s26 =	sshrl.u32 s2, $0x1;
	s30 =	sshrl.u32 s25, $0x2  }
0xb: {  	s13 =	sshrl.u32 s31, $0x2;
	s23 =	simm.s32 $0x2;
	s25 =	simm.s32 $0x1D280  }
0xc: {  	s8 =	smul.u32 $0x500, s4;
	s4 =	rddreg [dreg:$0x4];
	_ =	strace $0x80000047  }
0xd: {  	s9 =	sadd.s32 s10, s9;
	s10 =	sor.u32 s24, s11;
	s2 =	ssub.s32 s2, s26  }
0xe: {  	s24 =	simm.s32 $0x80;
	s26 =	simm.s32 $0x20;
	s9 =	sshrl.u32 s9, $0x3  }
0xf: {  	s10 =	sshrl.u32 s10, $0x3;
	s13 =	sadd.s32 s13, s4;
	s16 =	smax.u32 s2, $0x1  }
0x10: {  	s12 =	sadd.s32 s8, s7;
	s14 =	sadd.s32 s9, s7;
	s15 =	sadd.s32 s10, s7  }
0x11: {  	s6 =	sadd.s32 s6, s8;
	s8 =	sadd.s32 s30, s3;
	s7 =	sadd.s32 $0x1200, s12  }
0x12: {  	s9 =	sadd.s32 $0x4000, s8;
	s10 =	sadd.s32 $0x8000, s8;
	s11 =	sadd.s32 $0xC000, s8  }
0x13: {  	v0 =	vimm.f32 $0.0e+00;
	v1 =	vimm.f32 $1.000000000e+00;
	s12 =	sadd.s32 $0x10000, s8;
	s14 =	sadd.s32 $0xBC00, s14;
	s15 =	sadd.s32 $0xB200, s15  }
.LBB2_1:
0x14: {  	s0 =	simm.s32 $0x16A80  }
0x15: {  	[tilespmem:s0], [sflag:$0x1] =	stream.linear.gather [hbm4b:s6+s5], $0x2780, $0x38;
	[tilespmem:$0x1D580] =	vst v63  }
0x16: {  	s30 =	simm.s32 $0x0;
	s31 =	simm.s32 $0x200  }
0x17: {  	[tilespmem:s18], [sflag:$0x2] =	stream.linear.gather [hbm4b:s7+s5], $0x2780, $0x38;
	[tilespmem:$0x1D580] =	vst v63  }
.LBB2_2:
0x18: {  	p0 =	sne.s32 s31, $0xFE00;
	[tilespmem:s30+$0x192F0] =	vst v0  }
0x19: {  	[tilespmem:s30+$0x19280] =	vst v0  }
0x1a: {  	[tilespmem:s30+$0x19290] =	vst v0  }
.Ltmp0:
0x1b: {  	[tilespmem:s30+$0x192A0] =	vst v0;
	(pc) =	sbr.rel @p0 .LBB2_2-.Ltmp0, $4  }
0x1c: {  	[tilespmem:s30+$0x192B0] =	vst v0  }
0x1d: {  	[tilespmem:s30+$0x192C0] =	vst v0  }
0x1e: {  	[tilespmem:s30+$0x192D0] =	vst v0  }
0x1f: {  	[tilespmem:s30+$0x192E0] =	vst v0;
	s30 =	sshra.s32 s31, $0x2;
	s31 =	sadd.s32 $0x200, s31  }
0x20: {  	[tilespmem:s30+$0x192F0] =	vst v0  }
0x21: {  	[tilespmem:s30+$0x19280] =	vst v0  }
0x22: {  	[tilespmem:s30+$0x19290] =	vst v0  }
0x23: {  	[tilespmem:s30+$0x192A0] =	vst v0  }
0x24: {  	[tilespmem:s30+$0x192B0] =	vst v0  }
0x25: {  	[tilespmem:s30+$0x192C0] =	vst v0  }
0x26: {  	[tilespmem:s30+$0x192D0] =	vst v0  }
0x27: {  	[tilespmem:s30+$0x192E0] =	vst v0  }
0x28: {  	[tilespmem:$0x1D300] =	vst v0  }
0x29: {  	[tilespmem:$0x1D310] =	vst v0  }
0x2a: {  	[tilespmem:$0x1D320] =	vst v0  }
0x2b: {  	[tilespmem:$0x1D330] =	vst v0  }
0x2c: {  	[tilespmem:$0x1D340] =	vst v0  }
0x2d: {  	[tilespmem:$0x1D350] =	vst v0  }
0x2e: {  	[tilespmem:$0x1D360] =	vst v0  }
0x2f: {  	[tilespmem:$0x1D370] =	vst v0  }
0x30: {  	[tilespmem:$0x1D380] =	vst v0  }
0x31: {  	[tilespmem:$0x1D390] =	vst v0  }
0x32: {  	[tilespmem:$0x1D3A0] =	vst v0  }
0x33: {  	[tilespmem:$0x1D3B0] =	vst v0  }
0x34: {  	[tilespmem:$0x1D3C0] =	vst v0  }
0x35: {  	[tilespmem:$0x1D3D0] =	vst v0  }
0x36: {  	[tilespmem:$0x1D3E0] =	vst v0  }
0x37: {  	[tilespmem:$0x1D3F0] =	vst v0  }
0x38: {  	[tilespmem:$0x1D400] =	vst v0  }
0x39: {  	[tilespmem:$0x1D410] =	vst v0  }
0x3a: {  	[tilespmem:$0x1D420] =	vst v0  }
0x3b: {  	[tilespmem:$0x1D430] =	vst v0  }
0x3c: {  	[tilespmem:$0x1D440] =	vst v0  }
0x3d: {  	[tilespmem:$0x1D450] =	vst v0  }
0x3e: {  	[tilespmem:$0x1D460] =	vst v0  }
0x3f: {  	[tilespmem:$0x1D470] =	vst v0  }
0x40: {  	[tilespmem:$0x1D480] =	vst v0  }
0x41: {  	[tilespmem:$0x1D490] =	vst v0  }
0x42: {  	[tilespmem:$0x1D4A0] =	vst v0  }
0x43: {  	[tilespmem:$0x1D4B0] =	vst v0  }
0x44: {  	[tilespmem:$0x1D4C0] =	vst v0  }
0x45: {  	[tilespmem:$0x1D4D0] =	vst v0  }
0x46: {  	[tilespmem:$0x1D4E0] =	vst v0  }
0x47: {  	[tilespmem:$0x1D4F0] =	vst v0  }
0x48: {  	[tilespmem:$0x1D500] =	vst v0  }
0x49: {  	[tilespmem:$0x1D510] =	vst v0  }
0x4a: {  	[tilespmem:$0x1D520] =	vst v0  }
0x4b: {  	[tilespmem:$0x1D530] =	vst v0  }
0x4c: {  	[tilespmem:$0x1D540] =	vst v0  }
0x4d: {  	[tilespmem:$0x1D550] =	vst v0  }
0x4e: {  	[tilespmem:$0x1D560] =	vst v0  }
0x4f: {  	[tilespmem:$0x1D570] =	vst v0  }
0x50: {  	[tilespmem:$0x1D280] =	vst v1  }
0x51: {  	[tilespmem:$0x1D290] =	vst v1  }
0x52: {  	[tilespmem:$0x1D2A0] =	vst v1  }
0x53: {  	[tilespmem:$0x1D2B0] =	vst v1  }
0x54: {  	[tilespmem:$0x1D2C0] =	vst v1  }
0x55: {  	[tilespmem:$0x1D2D0] =	vst v1  }
0x56: {  	[tilespmem:$0x1D2E0] =	vst v1  }
0x57: {  	[tilespmem:$0x1D2F0] =	vst v1  }
0x58: {  	[spmem:s8] =	stream.linear.scatter [tilespmem:s19], [sflag:$0x3], $0x4000, $0x38;
	[tilespmem:$0x1D580] =	vst v63  }
0x59: {  	_ =	swait.ge [sflag:s20], $0x4000  }
0x5a: {  	[sflag:s20] =	ssyncset.done $0x0  }
0x5b: {  	[sflag:s20] =	ssyncadd.s32 $0xFFFFC000  }
0x5c: {  	[spmem:s9] =	stream.linear.scatter [tilespmem:s19], [sflag:$0x3], $0x4000, $0x38;
	[tilespmem:$0x1D580] =	vst v63  }
0x5d: {  	_ =	swait.ge [sflag:s20], $0x4000  }
0x5e: {  	[sflag:s20] =	ssyncset.done $0x0  }
0x5f: {  	[sflag:s20] =	ssyncadd.s32 $0xFFFFC000  }
0x60: {  	[spmem:s10] =	stream.linear.scatter [tilespmem:s19], [sflag:$0x3], $0x4000, $0x38;
	[tilespmem:$0x1D580] =	vst v63  }
0x61: {  	_ =	swait.ge [sflag:s20], $0x4000  }
0x62: {  	[sflag:s20] =	ssyncset.done $0x0  }
0x63: {  	[sflag:s20] =	ssyncadd.s32 $0xFFFFC000  }
0x64: {  	[spmem:s11] =	stream.linear.scatter [tilespmem:s19], [sflag:$0x3], $0x4000, $0x38;
	[tilespmem:$0x1D580] =	vst v63  }
0x65: {  	_ =	swait.ge [sflag:s20], $0x4000  }
0x66: {  	[sflag:s20] =	ssyncset.done $0x0  }
0x67: {  	[sflag:s20] =	ssyncadd.s32 $0xFFFFC000  }
0x68: {  	[spmem:s12] =	stream.linear.scatter [tilespmem:s19], [sflag:$0x3], $0x4000, $0x38;
	[tilespmem:$0x1D580] =	vst v63  }
0x69: {  	_ =	swait.ge [sflag:s20], $0x4000  }
0x6a: {  	[sflag:s20] =	ssyncset.done $0x0  }
0x6b: {  	[sflag:s20] =	ssyncadd.s32 $0xFFFFC000  }
0x6c: {  	[spmem:s13] =	stream.linear.scatter [tilespmem:s21], [sflag:$0x3], $0x280, $0x38;
	[tilespmem:$0x1D580] =	vst v63  }
0x6d: {  	_ =	swait.ge [sflag:s20], $0x280  }
0x6e: {  	[sflag:s20] =	ssyncset.done $0x0  }
0x6f: {  	[sflag:s20] =	ssyncadd.s32 $0xFFFFFD80  }
0x70: {  	_ =	swait.ge [sflag:s22], $0x2780  }
0x71: {  	[sflag:s22] =	ssyncset.done $0x0  }
0x72: {  	[sflag:s22] =	ssyncadd.s32 $0xFFFFD880  }
0x73: {  	_ =	swait.ge [sflag:s23], $0x2780  }
0x74: {  	[sflag:s23] =	ssyncset.done $0x0  }
0x75: {  	[sflag:s23] =	ssyncadd.s32 $0xFFFFD880  }
0x76: {  	s2 =	simm.s32 $0x14280;
	[bflag:$0x0] =	sbarrier.arrive $0xFFFF  }
0x77: {  	[tilespmem:s19], [sflag:$0x1] =	stream.indirect.gather [hbm4b:s1+s24], $0x80, s2, s24, $0xb8;
	[tilespmem:$0x1D580] =	vst v63  }
0x78: {  	_ =	swait.ge [sflag:s22], $0x4000  }
0x79: {  	[sflag:s22] =	ssyncset.done $0x0  }
0x7a: {  	s31 =	simm.s32 $0x16A80;
	[sflag:s22] =	ssyncadd.s32 $0xFFFFC000  }
0x7b: {  	[spmem:s3] =	stream.indirect.scatter.add.f32 [tilespmem:s19], [sflag:$0x3], $0x80, s31, s24, $0xb8;
	[tilespmem:$0x1D580] =	vst v63  }
0x7c: {  	_ =	swait.ge [sflag:s20], $0x4000  }
0x7d: {  	[sflag:s20] =	ssyncset.done $0x0  }
0x7e: {  	s30 =	simm.s32 $0x80;
	s2 =	simm.s32 $0x400;
	[sflag:s20] =	ssyncadd.s32 $0xFFFFC000  }
.LBB2_4:
0x7f: {  	[spmem:s4] =	stream.indirect.scatter.add.f32 [tilespmem:s25], [sflag:$0x2], $0x1, s31, s24, $0xb8;
	[tilespmem:$0x1D580] =	vst v63  }
0x80: {  	s31 =	smov.u32 s2  }
0x81: {  	s17 =	sadd.s32 $0x200, s2;
	s0 =	sshra.s32 s31, $0x2;
	s31 =	sadd.s32 $0x14280, s30  }
0x82: {  	[tilespmem:s19], [sflag:$0x1] =	stream.indirect.gather [hbm4b:s1+s24], $0x80, s31, s24, $0xb8;
	[tilespmem:$0x1D580] =	vst v63  }
0x83: {  	p0 =	sne.s32 s2, $0x9C00;
	_ =	swait.ge [sflag:s22], $0x4000  }
0x84: {  	[sflag:s22] =	ssyncset.done $0x0  }
.Ltmp1:
0x85: {  	s31 =	sadd.s32 $0x16A80, s30;
	[sflag:s22] =	ssyncadd.s32 $0xFFFFC000;
	(pc) =	sbr.rel @p0 .LBB2_4-.Ltmp1, $4  }
0x86: {  	[spmem:s3] =	stream.indirect.scatter.add.f32 [tilespmem:s19], [sflag:$0x3], $0x80, s31, s24, $0xb8;
	[tilespmem:$0x1D580] =	vst v63  }
0x87: {  	s30 =	smov.u32 s0;
	_ =	swait.ge [sflag:s20], $0x4000  }
0x88: {  	[sflag:s20] =	ssyncset.done $0x0  }
0x89: {  	s2 =	smov.u32 s17;
	[sflag:s20] =	ssyncadd.s32 $0xFFFFC000  }
0x8a: {  	[spmem:s4] =	stream.indirect.scatter.add.f32 [tilespmem:s25], [sflag:$0x2], $0x1, s31, s24, $0xb8;
	[tilespmem:$0x1D580] =	vst v63  }
0x8b: {  	s0 =	sadd.s32 $0x14280, s30  }
0x8c: {  	[tilespmem:s19], [sflag:$0x1] =	stream.indirect.gather [hbm4b:s1+s24], $0x80, s0, s24, $0xb8;
	[tilespmem:$0x1D580] =	vst v63  }
0x8d: {  	_ =	swait.ge [sflag:s22], $0x4000  }
0x8e: {  	[sflag:s22] =	ssyncset.done $0x0  }
0x8f: {  	s17 =	sadd.s32 $0x16A80, s30;
	[sflag:s22] =	ssyncadd.s32 $0xFFFFC000  }
0x90: {  	[spmem:s3] =	stream.indirect.scatter.add.f32 [tilespmem:s19], [sflag:$0x3], $0x80, s17, s24, $0xb8;
	[tilespmem:$0x1D580] =	vst v63  }
0x91: {  	_ =	swait.ge [sflag:s20], $0x4000  }
0x92: {  	[sflag:s20] =	ssyncset.done $0x0  }
0x93: {  	[sflag:s20] =	ssyncadd.s32 $0xFFFFC000  }
0x94: {  	[spmem:s4] =	stream.indirect.scatter.add.f32 [tilespmem:s25], [sflag:$0x2], $0x1, s17, s24, $0xb8;
	[tilespmem:$0x1D580] =	vst v63  }
0x95: {  	_ =	swait.ge [sflag:s23], $0x2780  }
0x96: {  	s30 =	stileid.u32;
	[sflag:s23] =	ssyncset.done $0x0  }
0x97: {  	s0 =	sshll.u32 s30, $0x6;
	[sflag:s23] =	ssyncadd.s32 $0xFFFFD880  }
0x98: {  	s2 =	sshrl.u32 s8, $0x3;
	s0 =	sor.u32 $0x1C03, s0;
	[bflag:$0x0] =	sbarrier.arrive $0xFFFF  }
0x99: {  	[hbm:s14], [sflag:s0] =	dma.local [spmem:s2], $0x2800  }
0x9a: {  	s29 =	sadd.s32 $0x1, s29;
	_ =	swait.ge [sflag:s20], $0x2800  }
0x9b: {  	p0 =	sne.s32 s29, s16;
	[sflag:s20] =	ssyncset.done $0x0  }
.Ltmp2:
0x9c: {  	s31 =	sshrl.u32 s13, $0x3;
	[sflag:s20] =	ssyncadd.s32 $0xFFFFD800;
	(pc) =	sbr.rel @p0 .LBB2_1-.Ltmp2, $4  }
0x9d: {  	[hbm:s15@s26], [sflag:s0] =	dma.strided [spmem:s31@s28], $0x50, s22, $0x10   }
0x9e: {  	_ =	swait.ge [sflag:s20], $0x50  }
0x9f: {  	[sflag:s20] =	ssyncset.done $0x0  }
0xa0: {  	[sflag:s20] =	ssyncadd.s32 $0xFFFFFFB0  }
0xa1: {  	_ =	sfence.sel $0x180000  }
0xa2: {  	[bflag:$0x0] =	sbarrier.arrive $0xFFFF  }
0xa3: {  	_ =	strace $0x90000047  }
0xa4: {  	s0 =	stileid.u32;
	[bflag:$0x2] =	sbarrier.arrive $0xFFFF  }
0xa5: {  	p0 =	sne.s32 s0, $0x0;
	s0 =	rddreg [dreg:$0x5]  }
0xa6: {  	s0 =	sadd.s32 @!p0 $0x100000, s0  }
0xa7: {  	[sflag:s0] =	ssyncadd.tile.s32 @!p0 $0x1;
	_ =	shalt  }
.Lfunc_end2:
_tile_overlayer_lowered:
.L_overlay_start_2:
0xa8: {  	(tag) =	ssettag $0x2  }
0xa9: {  	s0 =	rddreg [dreg:$0x0];
	s2 =	stileid.u32  }
0xaa: {  	s1 =	rddreg [dreg:$0x1];
	p0 =	sne.s32 s2, $0x0  }
0xab: {  	s3 =	rddreg [dreg:$0x2];
	[bflag:$0x3] =	sbarrier.arrive $0xFFFF;
	s2 =	simm.s32 @!p0 $0x1C03  }
0xac: {  	[timem:s3], [sflag:s2] =	dma.local @!p0 [hbm:s0], s1  }
0xad: {  	s0 =	simm.s32 @!p0 $0x3  }
0xae: {  	_ =	swait.ge @!p0 [sflag:s0], s1  }
0xaf: {  	s1 =	ssub.s32 @!p0 $0x0, s1;
	[sflag:s0] =	ssyncset.done @!p0 $0x0  }
0xb0: {  	[sflag:s0] =	ssyncadd.s32 @!p0 s1  }
0xb1: {  	[bflag:$0x3] =	sbarrier.arrive $0xFFFF  }
0xb2: {  	_ =	shalt  }

</sc_bundles>
